<compile_context>
chip_gen: v7x
topology: tpu7x:2x2x1
jax: 0.10.2.dev20260603
libtpu: 0.0.44.dev20260713+nightly
codegen_flags: <defaults>
</compile_context>

<pallas_src>
import functools

import jax
import jax.numpy as jnp
from jax import lax
from jax.experimental import pallas as pl
from jax.experimental.pallas import tpu as pltpu
from jax.experimental.pallas import tpu_sc as plsc

B = 16384
E = 32
H1 = E // 2
H2 = E // 4
H3 = E // 8
N = 1000000

TC2 = 4096
TG2 = -(-N // TC2)

NC, NS = 2, 16
NW = NC * NS
BPW = B // NW
CHUNK = 128
NCH = BPW // CHUNK


def _pack_body(a, b, c, d, out):
    x = jnp.concatenate([a[...], b[...], c[...], d[...]], axis=0)
    out[...] = x.T


def _tc_pack4(a, b, c, d):
    return pl.pallas_call(
        _pack_body,
        grid=(TG2,),
        in_specs=[pl.BlockSpec((E, TC2), lambda i: (0, i))] * 4,
        out_specs=pl.BlockSpec((TC2, 4 * E), lambda i: (i, 0)),
        out_shape=jax.ShapeDtypeStruct((N, 4 * E), jnp.float32),
    )(a, b, c, d)


@functools.cache
def _build_sc_gather2():
    mesh = plsc.VectorSubcoreMesh(core_axis_name="c", subcore_axis_name="s")

    @functools.partial(
        pl.kernel,
        mesh=mesh,
        out_type=[jax.ShapeDtypeStruct((B, 4 * E), jnp.float32)] * 2,
        scratch_types=[
            pltpu.VMEM((NCH, CHUNK), jnp.int32),
            pltpu.VMEM((NCH, CHUNK), jnp.int32),
            pltpu.VMEM((CHUNK, 4 * E), jnp.float32),
            pltpu.VMEM((CHUNK, 4 * E), jnp.float32),
            pltpu.SemaphoreType.DMA,
        ],
        compiler_params=pltpu.CompilerParams(use_tc_tiling_on_sc=False),
    )
    def _sc_gather2(user_h, item_h, table,
                    o_u, o_i,
                    idx_u, idx_i, r_u, r_i, sem):
        wid = lax.axis_index("s") * NC + lax.axis_index("c")
        base = wid * BPW
        for c in range(NCH):
            pltpu.sync_copy(user_h.at[pl.ds(base + c * CHUNK, CHUNK)],
                            idx_u.at[c])
            pltpu.sync_copy(item_h.at[pl.ds(base + c * CHUNK, CHUNK)],
                            idx_i.at[c])
        for c in range(NCH):
            cp_u = pltpu.async_copy(table.at[idx_u.at[c]], r_u, sem)
            cp_i = pltpu.async_copy(table.at[idx_i.at[c]], r_i, sem)
            cp_u.wait()
            cp_i.wait()
            dst = pl.ds(base + c * CHUNK, CHUNK)
            pltpu.sync_copy(r_u, o_u.at[dst])
            pltpu.sync_copy(r_i, o_i.at[dst])

    return _sc_gather2


BLK = 2048


def _tc_body(ur, ir, w1a, w1b, b1, w2, b2, w3, b3, wog, wom, bo, out):
    u_row = ur[...]
    i_row = ir[...]
    guv = u_row[:, 0:E]
    giv = i_row[:, E:2 * E]
    muv = u_row[:, 2 * E:3 * E]
    miv = i_row[:, 3 * E:4 * E]
    h = jnp.dot(muv, w1a[...], preferred_element_type=jnp.float32)
    h = h + jnp.dot(miv, w1b[...], preferred_element_type=jnp.float32)
    h = jnp.maximum(h + b1[...], 0.0)
    h = jnp.maximum(
        jnp.dot(h, w2[...], preferred_element_type=jnp.float32) + b2[...], 0.0)
    pm = jnp.dot(h, w3[...], preferred_element_type=jnp.float32) + b3[...]
    pg = guv * giv
    logit = (jnp.sum(pg * wog[...], axis=1, keepdims=True)
             + jnp.sum(pm * wom[...], axis=1, keepdims=True) + bo[...])
    out[...] = jax.nn.sigmoid(logit)


def _tc_dense(ur, ir, w1a, w1b, b1, w2, b2, w3, b3, wog, wom, bo):
    full = lambda shape: pl.BlockSpec(shape, lambda i: (0, 0))
    return pl.pallas_call(
        _tc_body,
        grid=(B // BLK,),
        in_specs=[
            pl.BlockSpec((BLK, 4 * E), lambda i: (i, 0)),
            pl.BlockSpec((BLK, 4 * E), lambda i: (i, 0)),
            full((E, H1)), full((E, H1)), full((1, H1)),
            full((H1, H2)), full((1, H2)),
            full((H2, H3)), full((1, H3)),
            full((1, E)), full((1, H3)), full((1, 1)),
        ],
        out_specs=pl.BlockSpec((BLK, 1), lambda i: (i, 0)),
        out_shape=jax.ShapeDtypeStruct((B, 1), jnp.float32),
    )(ur, ir, w1a, w1b, b1, w2, b2, w3, b3, wog, wom, bo)


def kernel(user, item, gmf_user_w, gmf_item_w, mlp_user_w, mlp_item_w,
           W1, b1, W2, b2, W3, b3, Wo, bo):
    packed = _tc_pack4(
        gmf_user_w.T, gmf_item_w.T, mlp_user_w.T, mlp_item_w.T)
    u_rows, i_rows = _build_sc_gather2()(user, item, packed)
    w1a, w1b = W1[:E], W1[E:]
    wog = Wo[:E].reshape(1, E)
    wom = Wo[E:].reshape(1, H3)
    return _tc_dense(u_rows, i_rows, w1a, w1b,
                     b1.reshape(1, H1), W2, b2.reshape(1, H2),
                     W3, b3.reshape(1, H3), wog, wom, bo.reshape(1, 1))

# --- scband reference (transcript-rebuilt; emitter-appended) ---
"""Pipeline reference for scband-neu-mf-69887707841004 (READ-ONLY COPY).

The authoritative reference and input builder live on the scoring server;
editing this copy changes nothing except your own understanding.
"""

import jax, jax.numpy as jnp
import numpy as np

N_USER = 1000000
N_ITEM = 1000000
EMB = 32
BATCH = 16384
H1 = EMB // 2
H2 = EMB // 4
H3 = EMB // 8


def setup_inputs(seed: int = 0) -> dict:
    key = jax.random.key(seed)
    ks = jax.random.split(key, 16)
    user = jax.random.randint(ks[0], (BATCH,), 0, N_USER, dtype=jnp.int64 if jax.config.jax_enable_x64 else jnp.int32).astype(jnp.int32)
    item = jax.random.randint(ks[1], (BATCH,), 0, N_ITEM, dtype=jnp.int64 if jax.config.jax_enable_x64 else jnp.int32).astype(jnp.int32)
    gmf_user_w = jax.random.normal(ks[2], (N_USER, EMB), jnp.float32) * 0.02
    gmf_item_w = jax.random.normal(ks[3], (N_ITEM, EMB), jnp.float32) * 0.02
    mlp_user_w = jax.random.normal(ks[4], (N_USER, EMB), jnp.float32) * 0.02
    mlp_item_w = jax.random.normal(ks[5], (N_ITEM, EMB), jnp.float32) * 0.02
    W1 = jax.random.normal(ks[6], (2 * EMB, H1), jnp.float32) * (1.0 / np.sqrt(2 * EMB))
    b1 = jnp.zeros((H1,), jnp.float32)
    W2 = jax.random.normal(ks[7], (H1, H2), jnp.float32) * (1.0 / np.sqrt(H1))
    b2 = jnp.zeros((H2,), jnp.float32)
    W3 = jax.random.normal(ks[8], (H2, H3), jnp.float32) * (1.0 / np.sqrt(H2))
    b3 = jnp.zeros((H3,), jnp.float32)
    Wo = jax.random.normal(ks[9], (EMB + H3, 1), jnp.float32) * (1.0 / np.sqrt(EMB + H3))
    bo = jnp.zeros((1,), jnp.float32)
    return {
        "user": user, "item": item,
        "gmf_user_w": gmf_user_w, "gmf_item_w": gmf_item_w,
        "mlp_user_w": mlp_user_w, "mlp_item_w": mlp_item_w,
        "W1": W1, "b1": b1, "W2": W2, "b2": b2, "W3": W3, "b3": b3,
        "Wo": Wo, "bo": bo,
    }


def reference(user, item, gmf_user_w, gmf_item_w, mlp_user_w, mlp_item_w,
              W1, b1, W2, b2, W3, b3, Wo, bo):
    # GMF branch: elementwise product of gathered embeddings
    phi_gmf = jnp.take(gmf_user_w, user, axis=0) * jnp.take(gmf_item_w, item, axis=0)
    # MLP branch: concat gathered embeddings, then 3-layer MLP
    concat = jnp.concatenate([jnp.take(mlp_user_w, user, axis=0),
                              jnp.take(mlp_item_w, item, axis=0)], axis=1)
    h = jnp.maximum(concat @ W1 + b1, 0.0)
    h = jnp.maximum(h @ W2 + b2, 0.0)
    phi_mlp = h @ W3 + b3
    output = jnp.concatenate([phi_gmf, phi_mlp], axis=1) @ Wo + bo
    logit = jax.nn.sigmoid(output)
    return logit

if __name__ == "__main__":
    import jax
    _d = setup_inputs()
    print(jax.jit(kernel)(*tuple(_d.values())))

</pallas_src>

<mosaic_0001>
#map = affine_map<(d0, d1) -> (0)>
#map1 = affine_map<(d0, d1) -> (0, 0)>
module attributes {stable_mosaic.version = 14 : i64} {
  func.func @_sc_gather2(%arg0: i32, %arg1: i32, %arg2: memref<16384xi32, #tpu.memory_space<hbm>>, %arg3: memref<16384xi32, #tpu.memory_space<hbm>>, %arg4: memref<1000000x128xf32, #tpu.memory_space<hbm>>, %arg5: memref<16384x128xf32, #tpu.memory_space<hbm>>, %arg6: memref<16384x128xf32, #tpu.memory_space<hbm>>, %arg7: memref<4x128xi32, #tpu.memory_space<vmem>>, %arg8: memref<4x128xi32, #tpu.memory_space<vmem>>, %arg9: memref<128x128xf32, #tpu.memory_space<vmem>>, %arg10: memref<128x128xf32, #tpu.memory_space<vmem>>, %arg11: memref<!tpu.dma_semaphore, #tpu.memory_space<semaphore_mem>>) attributes {dimension_semantics = [#tpu.dimension_semantics<core_parallel>, #tpu.dimension_semantics<subcore_parallel>], iteration_bounds = array<i64: 2, 16>, scalar_prefetch = 0 : i64, scratch_operands = 5 : i64, tpu.core_type = #tpu.core_type<sc_vector_subcore>, window_params = [{transform_indices = #map}, {transform_indices = #map}, {transform_indices = #map1}, {transform_indices = #map1}, {transform_indices = #map1}]} {
    %mul3A = arith.constant 2 : i32
    %mul3A_0 = arith.muli %arg1, %mul3A : i32
    %add3A = arith.addi %mul3A_0, %arg0 : i32
    %mul3A_1 = arith.constant 512 : i32
    %mul3A_2 = arith.muli %add3A, %mul3A_1 : i32
    %add3A_3 = arith.constant 0 : i32
    %add3A_4 = arith.addi %mul3A_2, %add3A_3 : i32
    %run_scoped3A = arith.constant 0 : i32
    "tpu.region"() ({
      %run_scoped3A_144 = tpu.sem_alloc : memref<!tpu.dma_semaphore, #tpu.memory_space<semaphore_mem>>
      %dma_start3A_145 = arith.constant 0 : i32
      %dma_start3A_146 = tpu.memref_slice %arg7[%run_scoped3A, %dma_start3A_145] : memref<4x128xi32, #tpu.memory_space<vmem>> -> memref<1x128xi32, #tpu.memory_space<vmem>>
      %dma_start3A_147 = tpu.memref_squeeze %dma_start3A_146 : memref<1x128xi32, #tpu.memory_space<vmem>> -> memref<128xi32, #tpu.memory_space<vmem>>
      %dma_start3A_148 = tpu.memref_slice %arg2[%add3A_4] : memref<16384xi32, #tpu.memory_space<hbm>> -> memref<128xi32, #tpu.memory_space<hbm>>
      %dma_start3A_149 = arith.constant 0 : i32
      %dma_start3A_150 = tpu.memref_slice %arg7[%run_scoped3A, %dma_start3A_149] : memref<4x128xi32, #tpu.memory_space<vmem>> -> memref<1x128xi32, #tpu.memory_space<vmem>>
      %dma_start3A_151 = tpu.memref_squeeze %dma_start3A_150 : memref<1x128xi32, #tpu.memory_space<vmem>> -> memref<128xi32, #tpu.memory_space<vmem>>
      %dma_start3A_152 = tpu.memref_slice %arg2[%add3A_4] : memref<16384xi32, #tpu.memory_space<hbm>> -> memref<128xi32, #tpu.memory_space<hbm>>
      tpu.enqueue_dma source(%dma_start3A_152 : memref<128xi32, #tpu.memory_space<hbm>>) target(%dma_start3A_151 : memref<128xi32, #tpu.memory_space<vmem>>) target_semaphore(%run_scoped3A_144 : memref<!tpu.dma_semaphore, #tpu.memory_space<semaphore_mem>>)
      %dma_wait3A_153 = arith.constant 0 : i32
      %dma_wait3A_154 = tpu.memref_slice %arg7[%run_scoped3A, %dma_wait3A_153] : memref<4x128xi32, #tpu.memory_space<vmem>> -> memref<1x128xi32, #tpu.memory_space<vmem>>
      %dma_wait3A_155 = tpu.memref_squeeze %dma_wait3A_154 : memref<1x128xi32, #tpu.memory_space<vmem>> -> memref<128xi32, #tpu.memory_space<vmem>>
      %dma_wait3A_156 = tpu.memref_slice %arg2[%add3A_4] : memref<16384xi32, #tpu.memory_space<hbm>> -> memref<128xi32, #tpu.memory_space<hbm>>
      %dma_wait3A_157 = arith.constant 0 : i32
      %dma_wait3A_158 = tpu.memref_slice %arg7[%run_scoped3A, %dma_wait3A_157] : memref<4x128xi32, #tpu.memory_space<vmem>> -> memref<1x128xi32, #tpu.memory_space<vmem>>
      %dma_wait3A_159 = tpu.memref_squeeze %dma_wait3A_158 : memref<1x128xi32, #tpu.memory_space<vmem>> -> memref<128xi32, #tpu.memory_space<vmem>>
      %dma_wait3A_160 = tpu.memref_slice %arg2[%add3A_4] : memref<16384xi32, #tpu.memory_space<hbm>> -> memref<128xi32, #tpu.memory_space<hbm>>
      tpu.wait_dma2 semaphore(%run_scoped3A_144 : memref<!tpu.dma_semaphore, #tpu.memory_space<semaphore_mem>>) src(%dma_wait3A_160 : memref<128xi32, #tpu.memory_space<hbm>>) dst(%dma_wait3A_159 : memref<128xi32, #tpu.memory_space<vmem>>)
      tpu.yield
    }) : () -> ()
    %add3A_5 = arith.constant 0 : i32
    %add3A_6 = arith.addi %mul3A_2, %add3A_5 : i32
    %run_scoped3A_7 = arith.constant 0 : i32
    "tpu.region"() ({
      %run_scoped3A_144 = tpu.sem_alloc : memref<!tpu.dma_semaphore, #tpu.memory_space<semaphore_mem>>
      %dma_start3A_145 = arith.constant 0 : i32
      %dma_start3A_146 = tpu.memref_slice %arg8[%run_scoped3A_7, %dma_start3A_145] : memref<4x128xi32, #tpu.memory_space<vmem>> -> memref<1x128xi32, #tpu.memory_space<vmem>>
      %dma_start3A_147 = tpu.memref_squeeze %dma_start3A_146 : memref<1x128xi32, #tpu.memory_space<vmem>> -> memref<128xi32, #tpu.memory_space<vmem>>
      %dma_start3A_148 = tpu.memref_slice %arg3[%add3A_6] : memref<16384xi32, #tpu.memory_space<hbm>> -> memref<128xi32, #tpu.memory_space<hbm>>
      %dma_start3A_149 = arith.constant 0 : i32
      %dma_start3A_150 = tpu.memref_slice %arg8[%run_scoped3A_7, %dma_start3A_149] : memref<4x128xi32, #tpu.memory_space<vmem>> -> memref<1x128xi32, #tpu.memory_space<vmem>>
      %dma_start3A_151 = tpu.memref_squeeze %dma_start3A_150 : memref<1x128xi32, #tpu.memory_space<vmem>> -> memref<128xi32, #tpu.memory_space<vmem>>
      %dma_start3A_152 = tpu.memref_slice %arg3[%add3A_6] : memref<16384xi32, #tpu.memory_space<hbm>> -> memref<128xi32, #tpu.memory_space<hbm>>
      tpu.enqueue_dma source(%dma_start3A_152 : memref<128xi32, #tpu.memory_space<hbm>>) target(%dma_start3A_151 : memref<128xi32, #tpu.memory_space<vmem>>) target_semaphore(%run_scoped3A_144 : memref<!tpu.dma_semaphore, #tpu.memory_space<semaphore_mem>>)
      %dma_wait3A_153 = arith.constant 0 : i32
      %dma_wait3A_154 = tpu.memref_slice %arg8[%run_scoped3A_7, %dma_wait3A_153] : memref<4x128xi32, #tpu.memory_space<vmem>> -> memref<1x128xi32, #tpu.memory_space<vmem>>
      %dma_wait3A_155 = tpu.memref_squeeze %dma_wait3A_154 : memref<1x128xi32, #tpu.memory_space<vmem>> -> memref<128xi32, #tpu.memory_space<vmem>>
      %dma_wait3A_156 = tpu.memref_slice %arg3[%add3A_6] : memref<16384xi32, #tpu.memory_space<hbm>> -> memref<128xi32, #tpu.memory_space<hbm>>
      %dma_wait3A_157 = arith.constant 0 : i32
      %dma_wait3A_158 = tpu.memref_slice %arg8[%run_scoped3A_7, %dma_wait3A_157] : memref<4x128xi32, #tpu.memory_space<vmem>> -> memref<1x128xi32, #tpu.memory_space<vmem>>
      %dma_wait3A_159 = tpu.memref_squeeze %dma_wait3A_158 : memref<1x128xi32, #tpu.memory_space<vmem>> -> memref<128xi32, #tpu.memory_space<vmem>>
      %dma_wait3A_160 = tpu.memref_slice %arg3[%add3A_6] : memref<16384xi32, #tpu.memory_space<hbm>> -> memref<128xi32, #tpu.memory_space<hbm>>
      tpu.wait_dma2 semaphore(%run_scoped3A_144 : memref<!tpu.dma_semaphore, #tpu.memory_space<semaphore_mem>>) src(%dma_wait3A_160 : memref<128xi32, #tpu.memory_space<hbm>>) dst(%dma_wait3A_159 : memref<128xi32, #tpu.memory_space<vmem>>)
      tpu.yield
    }) : () -> ()
    %add3A_8 = arith.constant 128 : i32
    %add3A_9 = arith.addi %mul3A_2, %add3A_8 : i32
    %run_scoped3A_10 = arith.constant 1 : i32
    "tpu.region"() ({
      %run_scoped3A_144 = tpu.sem_alloc : memref<!tpu.dma_semaphore, #tpu.memory_space<semaphore_mem>>
      %dma_start3A_145 = arith.constant 0 : i32
      %dma_start3A_146 = tpu.memref_slice %arg7[%run_scoped3A_10, %dma_start3A_145] : memref<4x128xi32, #tpu.memory_space<vmem>> -> memref<1x128xi32, #tpu.memory_space<vmem>>
      %dma_start3A_147 = tpu.memref_squeeze %dma_start3A_146 : memref<1x128xi32, #tpu.memory_space<vmem>> -> memref<128xi32, #tpu.memory_space<vmem>>
      %dma_start3A_148 = tpu.memref_slice %arg2[%add3A_9] : memref<16384xi32, #tpu.memory_space<hbm>> -> memref<128xi32, #tpu.memory_space<hbm>>
      %dma_start3A_149 = arith.constant 0 : i32
      %dma_start3A_150 = tpu.memref_slice %arg7[%run_scoped3A_10, %dma_start3A_149] : memref<4x128xi32, #tpu.memory_space<vmem>> -> memref<1x128xi32, #tpu.memory_space<vmem>>
      %dma_start3A_151 = tpu.memref_squeeze %dma_start3A_150 : memref<1x128xi32, #tpu.memory_space<vmem>> -> memref<128xi32, #tpu.memory_space<vmem>>
      %dma_start3A_152 = tpu.memref_slice %arg2[%add3A_9] : memref<16384xi32, #tpu.memory_space<hbm>> -> memref<128xi32, #tpu.memory_space<hbm>>
      tpu.enqueue_dma source(%dma_start3A_152 : memref<128xi32, #tpu.memory_space<hbm>>) target(%dma_start3A_151 : memref<128xi32, #tpu.memory_space<vmem>>) target_semaphore(%run_scoped3A_144 : memref<!tpu.dma_semaphore, #tpu.memory_space<semaphore_mem>>)
      %dma_wait3A_153 = arith.constant 0 : i32
      %dma_wait3A_154 = tpu.memref_slice %arg7[%run_scoped3A_10, %dma_wait3A_153] : memref<4x128xi32, #tpu.memory_space<vmem>> -> memref<1x128xi32, #tpu.memory_space<vmem>>
      %dma_wait3A_155 = tpu.memref_squeeze %dma_wait3A_154 : memref<1x128xi32, #tpu.memory_space<vmem>> -> memref<128xi32, #tpu.memory_space<vmem>>
      %dma_wait3A_156 = tpu.memref_slice %arg2[%add3A_9] : memref<16384xi32, #tpu.memory_space<hbm>> -> memref<128xi32, #tpu.memory_space<hbm>>
      %dma_wait3A_157 = arith.constant 0 : i32
      %dma_wait3A_158 = tpu.memref_slice %arg7[%run_scoped3A_10, %dma_wait3A_157] : memref<4x128xi32, #tpu.memory_space<vmem>> -> memref<1x128xi32, #tpu.memory_space<vmem>>
      %dma_wait3A_159 = tpu.memref_squeeze %dma_wait3A_158 : memref<1x128xi32, #tpu.memory_space<vmem>> -> memref<128xi32, #tpu.memory_space<vmem>>
      %dma_wait3A_160 = tpu.memref_slice %arg2[%add3A_9] : memref<16384xi32, #tpu.memory_space<hbm>> -> memref<128xi32, #tpu.memory_space<hbm>>
      tpu.wait_dma2 semaphore(%run_scoped3A_144 : memref<!tpu.dma_semaphore, #tpu.memory_space<semaphore_mem>>) src(%dma_wait3A_160 : memref<128xi32, #tpu.memory_space<hbm>>) dst(%dma_wait3A_159 : memref<128xi32, #tpu.memory_space<vmem>>)
      tpu.yield
    }) : () -> ()
    %add3A_11 = arith.constant 128 : i32
    %add3A_12 = arith.addi %mul3A_2, %add3A_11 : i32
    %run_scoped3A_13 = arith.constant 1 : i32
    "tpu.region"() ({
      %run_scoped3A_144 = tpu.sem_alloc : memref<!tpu.dma_semaphore, #tpu.memory_space<semaphore_mem>>
      %dma_start3A_145 = arith.constant 0 : i32
      %dma_start3A_146 = tpu.memref_slice %arg8[%run_scoped3A_13, %dma_start3A_145] : memref<4x128xi32, #tpu.memory_space<vmem>> -> memref<1x128xi32, #tpu.memory_space<vmem>>
      %dma_start3A_147 = tpu.memref_squeeze %dma_start3A_146 : memref<1x128xi32, #tpu.memory_space<vmem>> -> memref<128xi32, #tpu.memory_space<vmem>>
      %dma_start3A_148 = tpu.memref_slice %arg3[%add3A_12] : memref<16384xi32, #tpu.memory_space<hbm>> -> memref<128xi32, #tpu.memory_space<hbm>>
      %dma_start3A_149 = arith.constant 0 : i32
      %dma_start3A_150 = tpu.memref_slice %arg8[%run_scoped3A_13, %dma_start3A_149] : memref<4x128xi32, #tpu.memory_space<vmem>> -> memref<1x128xi32, #tpu.memory_space<vmem>>
      %dma_start3A_151 = tpu.memref_squeeze %dma_start3A_150 : memref<1x128xi32, #tpu.memory_space<vmem>> -> memref<128xi32, #tpu.memory_space<vmem>>
      %dma_start3A_152 = tpu.memref_slice %arg3[%add3A_12] : memref<16384xi32, #tpu.memory_space<hbm>> -> memref<128xi32, #tpu.memory_space<hbm>>
      tpu.enqueue_dma source(%dma_start3A_152 : memref<128xi32, #tpu.memory_space<hbm>>) target(%dma_start3A_151 : memref<128xi32, #tpu.memory_space<vmem>>) target_semaphore(%run_scoped3A_144 : memref<!tpu.dma_semaphore, #tpu.memory_space<semaphore_mem>>)
      %dma_wait3A_153 = arith.constant 0 : i32
      %dma_wait3A_154 = tpu.memref_slice %arg8[%run_scoped3A_13, %dma_wait3A_153] : memref<4x128xi32, #tpu.memory_space<vmem>> -> memref<1x128xi32, #tpu.memory_space<vmem>>
      %dma_wait3A_155 = tpu.memref_squeeze %dma_wait3A_154 : memref<1x128xi32, #tpu.memory_space<vmem>> -> memref<128xi32, #tpu.memory_space<vmem>>
      %dma_wait3A_156 = tpu.memref_slice %arg3[%add3A_12] : memref<16384xi32, #tpu.memory_space<hbm>> -> memref<128xi32, #tpu.memory_space<hbm>>
      %dma_wait3A_157 = arith.constant 0 : i32
      %dma_wait3A_158 = tpu.memref_slice %arg8[%run_scoped3A_13, %dma_wait3A_157] : memref<4x128xi32, #tpu.memory_space<vmem>> -> memref<1x128xi32, #tpu.memory_space<vmem>>
      %dma_wait3A_159 = tpu.memref_squeeze %dma_wait3A_158 : memref<1x128xi32, #tpu.memory_space<vmem>> -> memref<128xi32, #tpu.memory_space<vmem>>
      %dma_wait3A_160 = tpu.memref_slice %arg3[%add3A_12] : memref<16384xi32, #tpu.memory_space<hbm>> -> memref<128xi32, #tpu.memory_space<hbm>>
      tpu.wait_dma2 semaphore(%run_scoped3A_144 : memref<!tpu.dma_semaphore, #tpu.memory_space<semaphore_mem>>) src(%dma_wait3A_160 : memref<128xi32, #tpu.memory_space<hbm>>) dst(%dma_wait3A_159 : memref<128xi32, #tpu.memory_space<vmem>>)
      tpu.yield
    }) : () -> ()
    %add3A_14 = arith.constant 256 : i32
    %add3A_15 = arith.addi %mul3A_2, %add3A_14 : i32
    %run_scoped3A_16 = arith.constant 2 : i32
    "tpu.region"() ({
      %run_scoped3A_144 = tpu.sem_alloc : memref<!tpu.dma_semaphore, #tpu.memory_space<semaphore_mem>>
      %dma_start3A_145 = arith.constant 0 : i32
      %dma_start3A_146 = tpu.memref_slice %arg7[%run_scoped3A_16, %dma_start3A_145] : memref<4x128xi32, #tpu.memory_space<vmem>> -> memref<1x128xi32, #tpu.memory_space<vmem>>
      %dma_start3A_147 = tpu.memref_squeeze %dma_start3A_146 : memref<1x128xi32, #tpu.memory_space<vmem>> -> memref<128xi32, #tpu.memory_space<vmem>>
      %dma_start3A_148 = tpu.memref_slice %arg2[%add3A_15] : memref<16384xi32, #tpu.memory_space<hbm>> -> memref<128xi32, #tpu.memory_space<hbm>>
      %dma_start3A_149 = arith.constant 0 : i32
      %dma_start3A_150 = tpu.memref_slice %arg7[%run_scoped3A_16, %dma_start3A_149] : memref<4x128xi32, #tpu.memory_space<vmem>> -> memref<1x128xi32, #tpu.memory_space<vmem>>
      %dma_start3A_151 = tpu.memref_squeeze %dma_start3A_150 : memref<1x128xi32, #tpu.memory_space<vmem>> -> memref<128xi32, #tpu.memory_space<vmem>>
      %dma_start3A_152 = tpu.memref_slice %arg2[%add3A_15] : memref<16384xi32, #tpu.memory_space<hbm>> -> memref<128xi32, #tpu.memory_space<hbm>>
      tpu.enqueue_dma source(%dma_start3A_152 : memref<128xi32, #tpu.memory_space<hbm>>) target(%dma_start3A_151 : memref<128xi32, #tpu.memory_space<vmem>>) target_semaphore(%run_scoped3A_144 : memref<!tpu.dma_semaphore, #tpu.memory_space<semaphore_mem>>)
      %dma_wait3A_153 = arith.constant 0 : i32
      %dma_wait3A_154 = tpu.memref_slice %arg7[%run_scoped3A_16, %dma_wait3A_153] : memref<4x128xi32, #tpu.memory_space<vmem>> -> memref<1x128xi32, #tpu.memory_space<vmem>>
      %dma_wait3A_155 = tpu.memref_squeeze %dma_wait3A_154 : memref<1x128xi32, #tpu.memory_space<vmem>> -> memref<128xi32, #tpu.memory_space<vmem>>
      %dma_wait3A_156 = tpu.memref_slice %arg2[%add3A_15] : memref<16384xi32, #tpu.memory_space<hbm>> -> memref<128xi32, #tpu.memory_space<hbm>>
      %dma_wait3A_157 = arith.constant 0 : i32
      %dma_wait3A_158 = tpu.memref_slice %arg7[%run_scoped3A_16, %dma_wait3A_157] : memref<4x128xi32, #tpu.memory_space<vmem>> -> memref<1x128xi32, #tpu.memory_space<vmem>>
      %dma_wait3A_159 = tpu.memref_squeeze %dma_wait3A_158 : memref<1x128xi32, #tpu.memory_space<vmem>> -> memref<128xi32, #tpu.memory_space<vmem>>
      %dma_wait3A_160 = tpu.memref_slice %arg2[%add3A_15] : memref<16384xi32, #tpu.memory_space<hbm>> -> memref<128xi32, #tpu.memory_space<hbm>>
      tpu.wait_dma2 semaphore(%run_scoped3A_144 : memref<!tpu.dma_semaphore, #tpu.memory_space<semaphore_mem>>) src(%dma_wait3A_160 : memref<128xi32, #tpu.memory_space<hbm>>) dst(%dma_wait3A_159 : memref<128xi32, #tpu.memory_space<vmem>>)
      tpu.yield
    }) : () -> ()
    %add3A_17 = arith.constant 256 : i32
    %add3A_18 = arith.addi %mul3A_2, %add3A_17 : i32
    %run_scoped3A_19 = arith.constant 2 : i32
    "tpu.region"() ({
      %run_scoped3A_144 = tpu.sem_alloc : memref<!tpu.dma_semaphore, #tpu.memory_space<semaphore_mem>>
      %dma_start3A_145 = arith.constant 0 : i32
      %dma_start3A_146 = tpu.memref_slice %arg8[%run_scoped3A_19, %dma_start3A_145] : memref<4x128xi32, #tpu.memory_space<vmem>> -> memref<1x128xi32, #tpu.memory_space<vmem>>
      %dma_start3A_147 = tpu.memref_squeeze %dma_start3A_146 : memref<1x128xi32, #tpu.memory_space<vmem>> -> memref<128xi32, #tpu.memory_space<vmem>>
      %dma_start3A_148 = tpu.memref_slice %arg3[%add3A_18] : memref<16384xi32, #tpu.memory_space<hbm>> -> memref<128xi32, #tpu.memory_space<hbm>>
      %dma_start3A_149 = arith.constant 0 : i32
      %dma_start3A_150 = tpu.memref_slice %arg8[%run_scoped3A_19, %dma_start3A_149] : memref<4x128xi32, #tpu.memory_space<vmem>> -> memref<1x128xi32, #tpu.memory_space<vmem>>
      %dma_start3A_151 = tpu.memref_squeeze %dma_start3A_150 : memref<1x128xi32, #tpu.memory_space<vmem>> -> memref<128xi32, #tpu.memory_space<vmem>>
      %dma_start3A_152 = tpu.memref_slice %arg3[%add3A_18] : memref<16384xi32, #tpu.memory_space<hbm>> -> memref<128xi32, #tpu.memory_space<hbm>>
      tpu.enqueue_dma source(%dma_start3A_152 : memref<128xi32, #tpu.memory_space<hbm>>) target(%dma_start3A_151 : memref<128xi32, #tpu.memory_space<vmem>>) target_semaphore(%run_scoped3A_144 : memref<!tpu.dma_semaphore, #tpu.memory_space<semaphore_mem>>)
      %dma_wait3A_153 = arith.constant 0 : i32
      %dma_wait3A_154 = tpu.memref_slice %arg8[%run_scoped3A_19, %dma_wait3A_153] : memref<4x128xi32, #tpu.memory_space<vmem>> -> memref<1x128xi32, #tpu.memory_space<vmem>>
      %dma_wait3A_155 = tpu.memref_squeeze %dma_wait3A_154 : memref<1x128xi32, #tpu.memory_space<vmem>> -> memref<128xi32, #tpu.memory_space<vmem>>
      %dma_wait3A_156 = tpu.memref_slice %arg3[%add3A_18] : memref<16384xi32, #tpu.memory_space<hbm>> -> memref<128xi32, #tpu.memory_space<hbm>>
      %dma_wait3A_157 = arith.constant 0 : i32
      %dma_wait3A_158 = tpu.memref_slice %arg8[%run_scoped3A_19, %dma_wait3A_157] : memref<4x128xi32, #tpu.memory_space<vmem>> -> memref<1x128xi32, #tpu.memory_space<vmem>>
      %dma_wait3A_159 = tpu.memref_squeeze %dma_wait3A_158 : memref<1x128xi32, #tpu.memory_space<vmem>> -> memref<128xi32, #tpu.memory_space<vmem>>
      %dma_wait3A_160 = tpu.memref_slice %arg3[%add3A_18] : memref<16384xi32, #tpu.memory_space<hbm>> -> memref<128xi32, #tpu.memory_space<hbm>>
      tpu.wait_dma2 semaphore(%run_scoped3A_144 : memref<!tpu.dma_semaphore, #tpu.memory_space<semaphore_mem>>) src(%dma_wait3A_160 : memref<128xi32, #tpu.memory_space<hbm>>) dst(%dma_wait3A_159 : memref<128xi32, #tpu.memory_space<vmem>>)
      tpu.yield
    }) : () -> ()
    %add3A_20 = arith.constant 384 : i32
    %add3A_21 = arith.addi %mul3A_2, %add3A_20 : i32
    %run_scoped3A_22 = arith.constant 3 : i32
    "tpu.region"() ({
      %run_scoped3A_144 = tpu.sem_alloc : memref<!tpu.dma_semaphore, #tpu.memory_space<semaphore_mem>>
      %dma_start3A_145 = arith.constant 0 : i32
      %dma_start3A_146 = tpu.memref_slice %arg7[%run_scoped3A_22, %dma_start3A_145] : memref<4x128xi32, #tpu.memory_space<vmem>> -> memref<1x128xi32, #tpu.memory_space<vmem>>
      %dma_start3A_147 = tpu.memref_squeeze %dma_start3A_146 : memref<1x128xi32, #tpu.memory_space<vmem>> -> memref<128xi32, #tpu.memory_space<vmem>>
      %dma_start3A_148 = tpu.memref_slice %arg2[%add3A_21] : memref<16384xi32, #tpu.memory_space<hbm>> -> memref<128xi32, #tpu.memory_space<hbm>>
      %dma_start3A_149 = arith.constant 0 : i32
      %dma_start3A_150 = tpu.memref_slice %arg7[%run_scoped3A_22, %dma_start3A_149] : memref<4x128xi32, #tpu.memory_space<vmem>> -> memref<1x128xi32, #tpu.memory_space<vmem>>
      %dma_start3A_151 = tpu.memref_squeeze %dma_start3A_150 : memref<1x128xi32, #tpu.memory_space<vmem>> -> memref<128xi32, #tpu.memory_space<vmem>>
      %dma_start3A_152 = tpu.memref_slice %arg2[%add3A_21] : memref<16384xi32, #tpu.memory_space<hbm>> -> memref<128xi32, #tpu.memory_space<hbm>>
      tpu.enqueue_dma source(%dma_start3A_152 : memref<128xi32, #tpu.memory_space<hbm>>) target(%dma_start3A_151 : memref<128xi32, #tpu.memory_space<vmem>>) target_semaphore(%run_scoped3A_144 : memref<!tpu.dma_semaphore, #tpu.memory_space<semaphore_mem>>)
      %dma_wait3A_153 = arith.constant 0 : i32
      %dma_wait3A_154 = tpu.memref_slice %arg7[%run_scoped3A_22, %dma_wait3A_153] : memref<4x128xi32, #tpu.memory_space<vmem>> -> memref<1x128xi32, #tpu.memory_space<vmem>>
      %dma_wait3A_155 = tpu.memref_squeeze %dma_wait3A_154 : memref<1x128xi32, #tpu.memory_space<vmem>> -> memref<128xi32, #tpu.memory_space<vmem>>
      %dma_wait3A_156 = tpu.memref_slice %arg2[%add3A_21] : memref<16384xi32, #tpu.memory_space<hbm>> -> memref<128xi32, #tpu.memory_space<hbm>>
      %dma_wait3A_157 = arith.constant 0 : i32
      %dma_wait3A_158 = tpu.memref_slice %arg7[%run_scoped3A_22, %dma_wait3A_157] : memref<4x128xi32, #tpu.memory_space<vmem>> -> memref<1x128xi32, #tpu.memory_space<vmem>>
      %dma_wait3A_159 = tpu.memref_squeeze %dma_wait3A_158 : memref<1x128xi32, #tpu.memory_space<vmem>> -> memref<128xi32, #tpu.memory_space<vmem>>
      %dma_wait3A_160 = tpu.memref_slice %arg2[%add3A_21] : memref<16384xi32, #tpu.memory_space<hbm>> -> memref<128xi32, #tpu.memory_space<hbm>>
      tpu.wait_dma2 semaphore(%run_scoped3A_144 : memref<!tpu.dma_semaphore, #tpu.memory_space<semaphore_mem>>) src(%dma_wait3A_160 : memref<128xi32, #tpu.memory_space<hbm>>) dst(%dma_wait3A_159 : memref<128xi32, #tpu.memory_space<vmem>>)
      tpu.yield
    }) : () -> ()
    %add3A_23 = arith.constant 384 : i32
    %add3A_24 = arith.addi %mul3A_2, %add3A_23 : i32
    %run_scoped3A_25 = arith.constant 3 : i32
    "tpu.region"() ({
      %run_scoped3A_144 = tpu.sem_alloc : memref<!tpu.dma_semaphore, #tpu.memory_space<semaphore_mem>>
      %dma_start3A_145 = arith.constant 0 : i32
      %dma_start3A_146 = tpu.memref_slice %arg8[%run_scoped3A_25, %dma_start3A_145] : memref<4x128xi32, #tpu.memory_space<vmem>> -> memref<1x128xi32, #tpu.memory_space<vmem>>
      %dma_start3A_147 = tpu.memref_squeeze %dma_start3A_146 : memref<1x128xi32, #tpu.memory_space<vmem>> -> memref<128xi32, #tpu.memory_space<vmem>>
      %dma_start3A_148 = tpu.memref_slice %arg3[%add3A_24] : memref<16384xi32, #tpu.memory_space<hbm>> -> memref<128xi32, #tpu.memory_space<hbm>>
      %dma_start3A_149 = arith.constant 0 : i32
      %dma_start3A_150 = tpu.memref_slice %arg8[%run_scoped3A_25, %dma_start3A_149] : memref<4x128xi32, #tpu.memory_space<vmem>> -> memref<1x128xi32, #tpu.memory_space<vmem>>
      %dma_start3A_151 = tpu.memref_squeeze %dma_start3A_150 : memref<1x128xi32, #tpu.memory_space<vmem>> -> memref<128xi32, #tpu.memory_space<vmem>>
      %dma_start3A_152 = tpu.memref_slice %arg3[%add3A_24] : memref<16384xi32, #tpu.memory_space<hbm>> -> memref<128xi32, #tpu.memory_space<hbm>>
      tpu.enqueue_dma source(%dma_start3A_152 : memref<128xi32, #tpu.memory_space<hbm>>) target(%dma_start3A_151 : memref<128xi32, #tpu.memory_space<vmem>>) target_semaphore(%run_scoped3A_144 : memref<!tpu.dma_semaphore, #tpu.memory_space<semaphore_mem>>)
      %dma_wait3A_153 = arith.constant 0 : i32
      %dma_wait3A_154 = tpu.memref_slice %arg8[%run_scoped3A_25, %dma_wait3A_153] : memref<4x128xi32, #tpu.memory_space<vmem>> -> memref<1x128xi32, #tpu.memory_space<vmem>>
      %dma_wait3A_155 = tpu.memref_squeeze %dma_wait3A_154 : memref<1x128xi32, #tpu.memory_space<vmem>> -> memref<128xi32, #tpu.memory_space<vmem>>
      %dma_wait3A_156 = tpu.memref_slice %arg3[%add3A_24] : memref<16384xi32, #tpu.memory_space<hbm>> -> memref<128xi32, #tpu.memory_space<hbm>>
      %dma_wait3A_157 = arith.constant 0 : i32
      %dma_wait3A_158 = tpu.memref_slice %arg8[%run_scoped3A_25, %dma_wait3A_157] : memref<4x128xi32, #tpu.memory_space<vmem>> -> memref<1x128xi32, #tpu.memory_space<vmem>>
      %dma_wait3A_159 = tpu.memref_squeeze %dma_wait3A_158 : memref<1x128xi32, #tpu.memory_space<vmem>> -> memref<128xi32, #tpu.memory_space<vmem>>
      %dma_wait3A_160 = tpu.memref_slice %arg3[%add3A_24] : memref<16384xi32, #tpu.memory_space<hbm>> -> memref<128xi32, #tpu.memory_space<hbm>>
      tpu.wait_dma2 semaphore(%run_scoped3A_144 : memref<!tpu.dma_semaphore, #tpu.memory_space<semaphore_mem>>) src(%dma_wait3A_160 : memref<128xi32, #tpu.memory_space<hbm>>) dst(%dma_wait3A_159 : memref<128xi32, #tpu.memory_space<vmem>>)
      tpu.yield
    }) : () -> ()
    %dma_start3A = arith.constant 0 : i32
    %dma_start3A_26 = arith.constant 0 : i32
    %dma_start3A_27 = tpu.memref_slice %arg7[%dma_start3A, %dma_start3A_26] : memref<4x128xi32, #tpu.memory_space<vmem>> -> memref<1x128xi32, #tpu.memory_space<vmem>>
    %dma_start3A_28 = tpu.memref_squeeze %dma_start3A_27 : memref<1x128xi32, #tpu.memory_space<vmem>> -> memref<128xi32, #tpu.memory_space<vmem>>
    %dma_start3A_29 = arith.constant 0 : i32
    %dma_start3A_30 = arith.constant 0 : i32
    %dma_start3A_31 = tpu.memref_slice %arg4[%dma_start3A_29, %dma_start3A_30] : memref<1000000x128xf32, #tpu.memory_space<hbm>> -> memref<1000000x128xf32, #tpu.memory_space<hbm>>
    tpu.enqueue_indirect_dma source(%dma_start3A_31 : memref<1000000x128xf32, #tpu.memory_space<hbm>>) target(%arg9 : memref<128x128xf32, #tpu.memory_space<vmem>>) offsets(%dma_start3A_28 : memref<128xi32, #tpu.memory_space<vmem>>) semaphore(%arg11 : memref<!tpu.dma_semaphore, #tpu.memory_space<semaphore_mem>>)
    %dma_start3A_32 = arith.constant 0 : i32
    %dma_start3A_33 = arith.constant 0 : i32
    %dma_start3A_34 = tpu.memref_slice %arg8[%dma_start3A_32, %dma_start3A_33] : memref<4x128xi32, #tpu.memory_space<vmem>> -> memref<1x128xi32, #tpu.memory_space<vmem>>
    %dma_start3A_35 = tpu.memref_squeeze %dma_start3A_34 : memref<1x128xi32, #tpu.memory_space<vmem>> -> memref<128xi32, #tpu.memory_space<vmem>>
    %dma_start3A_36 = arith.constant 0 : i32
    %dma_start3A_37 = arith.constant 0 : i32
    %dma_start3A_38 = tpu.memref_slice %arg4[%dma_start3A_36, %dma_start3A_37] : memref<1000000x128xf32, #tpu.memory_space<hbm>> -> memref<1000000x128xf32, #tpu.memory_space<hbm>>
    tpu.enqueue_indirect_dma source(%dma_start3A_38 : memref<1000000x128xf32, #tpu.memory_space<hbm>>) target(%arg10 : memref<128x128xf32, #tpu.memory_space<vmem>>) offsets(%dma_start3A_35 : memref<128xi32, #tpu.memory_space<vmem>>) semaphore(%arg11 : memref<!tpu.dma_semaphore, #tpu.memory_space<semaphore_mem>>)
    %dma_wait3A = arith.constant 0 : i32
    %dma_wait3A_39 = arith.constant 0 : i32
    %dma_wait3A_40 = tpu.memref_slice %arg7[%dma_wait3A, %dma_wait3A_39] : memref<4x128xi32, #tpu.memory_space<vmem>> -> memref<1x128xi32, #tpu.memory_space<vmem>>
    %dma_wait3A_41 = tpu.memref_squeeze %dma_wait3A_40 : memref<1x128xi32, #tpu.memory_space<vmem>> -> memref<128xi32, #tpu.memory_space<vmem>>
    %dma_wait3A_42 = arith.constant 0 : i32
    %dma_wait3A_43 = arith.constant 0 : i32
    %dma_wait3A_44 = tpu.memref_slice %arg4[%dma_wait3A_42, %dma_wait3A_43] : memref<1000000x128xf32, #tpu.memory_space<hbm>> -> memref<1000000x128xf32, #tpu.memory_space<hbm>>
    tpu.wait_indirect_dma semaphore(%arg11 : memref<!tpu.dma_semaphore, #tpu.memory_space<semaphore_mem>>) src(%dma_wait3A_44 : memref<1000000x128xf32, #tpu.memory_space<hbm>>) dst(%arg9 : memref<128x128xf32, #tpu.memory_space<vmem>>)
    %dma_wait3A_45 = arith.constant 0 : i32
    %dma_wait3A_46 = arith.constant 0 : i32
    %dma_wait3A_47 = tpu.memref_slice %arg8[%dma_wait3A_45, %dma_wait3A_46] : memref<4x128xi32, #tpu.memory_space<vmem>> -> memref<1x128xi32, #tpu.memory_space<vmem>>
    %dma_wait3A_48 = tpu.memref_squeeze %dma_wait3A_47 : memref<1x128xi32, #tpu.memory_space<vmem>> -> memref<128xi32, #tpu.memory_space<vmem>>
    %dma_wait3A_49 = arith.constant 0 : i32
    %dma_wait3A_50 = arith.constant 0 : i32
    %dma_wait3A_51 = tpu.memref_slice %arg4[%dma_wait3A_49, %dma_wait3A_50] : memref<1000000x128xf32, #tpu.memory_space<hbm>> -> memref<1000000x128xf32, #tpu.memory_space<hbm>>
    tpu.wait_indirect_dma semaphore(%arg11 : memref<!tpu.dma_semaphore, #tpu.memory_space<semaphore_mem>>) src(%dma_wait3A_51 : memref<1000000x128xf32, #tpu.memory_space<hbm>>) dst(%arg10 : memref<128x128xf32, #tpu.memory_space<vmem>>)
    %add3A_52 = arith.constant 0 : i32
    %add3A_53 = arith.addi %mul3A_2, %add3A_52 : i32
    "tpu.region"() ({
      %run_scoped3A_144 = tpu.sem_alloc : memref<!tpu.dma_semaphore, #tpu.memory_space<semaphore_mem>>
      %dma_start3A_145 = arith.constant 0 : i32
      %dma_start3A_146 = tpu.memref_slice %arg5[%add3A_53, %dma_start3A_145] : memref<16384x128xf32, #tpu.memory_space<hbm>> -> memref<128x128xf32, #tpu.memory_space<hbm>>
      %dma_start3A_147 = arith.constant 0 : i32
      %dma_start3A_148 = tpu.memref_slice %arg5[%add3A_53, %dma_start3A_147] : memref<16384x128xf32, #tpu.memory_space<hbm>> -> memref<128x128xf32, #tpu.memory_space<hbm>>
      tpu.enqueue_dma source(%arg9 : memref<128x128xf32, #tpu.memory_space<vmem>>) target(%dma_start3A_148 : memref<128x128xf32, #tpu.memory_space<hbm>>) target_semaphore(%run_scoped3A_144 : memref<!tpu.dma_semaphore, #tpu.memory_space<semaphore_mem>>)
      %dma_wait3A_149 = arith.constant 0 : i32
      %dma_wait3A_150 = tpu.memref_slice %arg5[%add3A_53, %dma_wait3A_149] : memref<16384x128xf32, #tpu.memory_space<hbm>> -> memref<128x128xf32, #tpu.memory_space<hbm>>
      %dma_wait3A_151 = arith.constant 0 : i32
      %dma_wait3A_152 = tpu.memref_slice %arg5[%add3A_53, %dma_wait3A_151] : memref<16384x128xf32, #tpu.memory_space<hbm>> -> memref<128x128xf32, #tpu.memory_space<hbm>>
      tpu.wait_dma2 semaphore(%run_scoped3A_144 : memref<!tpu.dma_semaphore, #tpu.memory_space<semaphore_mem>>) src(%arg9 : memref<128x128xf32, #tpu.memory_space<vmem>>) dst(%dma_wait3A_152 : memref<128x128xf32, #tpu.memory_space<hbm>>)
      tpu.yield
    }) : () -> ()
    "tpu.region"() ({
      %run_scoped3A_144 = tpu.sem_alloc : memref<!tpu.dma_semaphore, #tpu.memory_space<semaphore_mem>>
      %dma_start3A_145 = arith.constant 0 : i32
      %dma_start3A_146 = tpu.memref_slice %arg6[%add3A_53, %dma_start3A_145] : memref<16384x128xf32, #tpu.memory_space<hbm>> -> memref<128x128xf32, #tpu.memory_space<hbm>>
      %dma_start3A_147 = arith.constant 0 : i32
      %dma_start3A_148 = tpu.memref_slice %arg6[%add3A_53, %dma_start3A_147] : memref<16384x128xf32, #tpu.memory_space<hbm>> -> memref<128x128xf32, #tpu.memory_space<hbm>>
      tpu.enqueue_dma source(%arg10 : memref<128x128xf32, #tpu.memory_space<vmem>>) target(%dma_start3A_148 : memref<128x128xf32, #tpu.memory_space<hbm>>) target_semaphore(%run_scoped3A_144 : memref<!tpu.dma_semaphore, #tpu.memory_space<semaphore_mem>>)
      %dma_wait3A_149 = arith.constant 0 : i32
      %dma_wait3A_150 = tpu.memref_slice %arg6[%add3A_53, %dma_wait3A_149] : memref<16384x128xf32, #tpu.memory_space<hbm>> -> memref<128x128xf32, #tpu.memory_space<hbm>>
      %dma_wait3A_151 = arith.constant 0 : i32
      %dma_wait3A_152 = tpu.memref_slice %arg6[%add3A_53, %dma_wait3A_151] : memref<16384x128xf32, #tpu.memory_space<hbm>> -> memref<128x128xf32, #tpu.memory_space<hbm>>
      tpu.wait_dma2 semaphore(%run_scoped3A_144 : memref<!tpu.dma_semaphore, #tpu.memory_space<semaphore_mem>>) src(%arg10 : memref<128x128xf32, #tpu.memory_space<vmem>>) dst(%dma_wait3A_152 : memref<128x128xf32, #tpu.memory_space<hbm>>)
      tpu.yield
    }) : () -> ()
    %dma_start3A_54 = arith.constant 1 : i32
    %dma_start3A_55 = arith.constant 0 : i32
    %dma_start3A_56 = tpu.memref_slice %arg7[%dma_start3A_54, %dma_start3A_55] : memref<4x128xi32, #tpu.memory_space<vmem>> -> memref<1x128xi32, #tpu.memory_space<vmem>>
    %dma_start3A_57 = tpu.memref_squeeze %dma_start3A_56 : memref<1x128xi32, #tpu.memory_space<vmem>> -> memref<128xi32, #tpu.memory_space<vmem>>
    %dma_start3A_58 = arith.constant 0 : i32
    %dma_start3A_59 = arith.constant 0 : i32
    %dma_start3A_60 = tpu.memref_slice %arg4[%dma_start3A_58, %dma_start3A_59] : memref<1000000x128xf32, #tpu.memory_space<hbm>> -> memref<1000000x128xf32, #tpu.memory_space<hbm>>
    tpu.enqueue_indirect_dma source(%dma_start3A_60 : memref<1000000x128xf32, #tpu.memory_space<hbm>>) target(%arg9 : memref<128x128xf32, #tpu.memory_space<vmem>>) offsets(%dma_start3A_57 : memref<128xi32, #tpu.memory_space<vmem>>) semaphore(%arg11 : memref<!tpu.dma_semaphore, #tpu.memory_space<semaphore_mem>>)
    %dma_start3A_61 = arith.constant 1 : i32
    %dma_start3A_62 = arith.constant 0 : i32
    %dma_start3A_63 = tpu.memref_slice %arg8[%dma_start3A_61, %dma_start3A_62] : memref<4x128xi32, #tpu.memory_space<vmem>> -> memref<1x128xi32, #tpu.memory_space<vmem>>
    %dma_start3A_64 = tpu.memref_squeeze %dma_start3A_63 : memref<1x128xi32, #tpu.memory_space<vmem>> -> memref<128xi32, #tpu.memory_space<vmem>>
    %dma_start3A_65 = arith.constant 0 : i32
    %dma_start3A_66 = arith.constant 0 : i32
    %dma_start3A_67 = tpu.memref_slice %arg4[%dma_start3A_65, %dma_start3A_66] : memref<1000000x128xf32, #tpu.memory_space<hbm>> -> memref<1000000x128xf32, #tpu.memory_space<hbm>>
    tpu.enqueue_indirect_dma source(%dma_start3A_67 : memref<1000000x128xf32, #tpu.memory_space<hbm>>) target(%arg10 : memref<128x128xf32, #tpu.memory_space<vmem>>) offsets(%dma_start3A_64 : memref<128xi32, #tpu.memory_space<vmem>>) semaphore(%arg11 : memref<!tpu.dma_semaphore, #tpu.memory_space<semaphore_mem>>)
    %dma_wait3A_68 = arith.constant 1 : i32
    %dma_wait3A_69 = arith.constant 0 : i32
    %dma_wait3A_70 = tpu.memref_slice %arg7[%dma_wait3A_68, %dma_wait3A_69] : memref<4x128xi32, #tpu.memory_space<vmem>> -> memref<1x128xi32, #tpu.memory_space<vmem>>
    %dma_wait3A_71 = tpu.memref_squeeze %dma_wait3A_70 : memref<1x128xi32, #tpu.memory_space<vmem>> -> memref<128xi32, #tpu.memory_space<vmem>>
    %dma_wait3A_72 = arith.constant 0 : i32
    %dma_wait3A_73 = arith.constant 0 : i32
    %dma_wait3A_74 = tpu.memref_slice %arg4[%dma_wait3A_72, %dma_wait3A_73] : memref<1000000x128xf32, #tpu.memory_space<hbm>> -> memref<1000000x128xf32, #tpu.memory_space<hbm>>
    tpu.wait_indirect_dma semaphore(%arg11 : memref<!tpu.dma_semaphore, #tpu.memory_space<semaphore_mem>>) src(%dma_wait3A_74 : memref<1000000x128xf32, #tpu.memory_space<hbm>>) dst(%arg9 : memref<128x128xf32, #tpu.memory_space<vmem>>)
    %dma_wait3A_75 = arith.constant 1 : i32
    %dma_wait3A_76 = arith.constant 0 : i32
    %dma_wait3A_77 = tpu.memref_slice %arg8[%dma_wait3A_75, %dma_wait3A_76] : memref<4x128xi32, #tpu.memory_space<vmem>> -> memref<1x128xi32, #tpu.memory_space<vmem>>
    %dma_wait3A_78 = tpu.memref_squeeze %dma_wait3A_77 : memref<1x128xi32, #tpu.memory_space<vmem>> -> memref<128xi32, #tpu.memory_space<vmem>>
    %dma_wait3A_79 = arith.constant 0 : i32
    %dma_wait3A_80 = arith.constant 0 : i32
    %dma_wait3A_81 = tpu.memref_slice %arg4[%dma_wait3A_79, %dma_wait3A_80] : memref<1000000x128xf32, #tpu.memory_space<hbm>> -> memref<1000000x128xf32, #tpu.memory_space<hbm>>
    tpu.wait_indirect_dma semaphore(%arg11 : memref<!tpu.dma_semaphore, #tpu.memory_space<semaphore_mem>>) src(%dma_wait3A_81 : memref<1000000x128xf32, #tpu.memory_space<hbm>>) dst(%arg10 : memref<128x128xf32, #tpu.memory_space<vmem>>)
    %add3A_82 = arith.constant 128 : i32
    %add3A_83 = arith.addi %mul3A_2, %add3A_82 : i32
    "tpu.region"() ({
      %run_scoped3A_144 = tpu.sem_alloc : memref<!tpu.dma_semaphore, #tpu.memory_space<semaphore_mem>>
      %dma_start3A_145 = arith.constant 0 : i32
      %dma_start3A_146 = tpu.memref_slice %arg5[%add3A_83, %dma_start3A_145] : memref<16384x128xf32, #tpu.memory_space<hbm>> -> memref<128x128xf32, #tpu.memory_space<hbm>>
      %dma_start3A_147 = arith.constant 0 : i32
      %dma_start3A_148 = tpu.memref_slice %arg5[%add3A_83, %dma_start3A_147] : memref<16384x128xf32, #tpu.memory_space<hbm>> -> memref<128x128xf32, #tpu.memory_space<hbm>>
      tpu.enqueue_dma source(%arg9 : memref<128x128xf32, #tpu.memory_space<vmem>>) target(%dma_start3A_148 : memref<128x128xf32, #tpu.memory_space<hbm>>) target_semaphore(%run_scoped3A_144 : memref<!tpu.dma_semaphore, #tpu.memory_space<semaphore_mem>>)
      %dma_wait3A_149 = arith.constant 0 : i32
      %dma_wait3A_150 = tpu.memref_slice %arg5[%add3A_83, %dma_wait3A_149] : memref<16384x128xf32, #tpu.memory_space<hbm>> -> memref<128x128xf32, #tpu.memory_space<hbm>>
      %dma_wait3A_151 = arith.constant 0 : i32
      %dma_wait3A_152 = tpu.memref_slice %arg5[%add3A_83, %dma_wait3A_151] : memref<16384x128xf32, #tpu.memory_space<hbm>> -> memref<128x128xf32, #tpu.memory_space<hbm>>
      tpu.wait_dma2 semaphore(%run_scoped3A_144 : memref<!tpu.dma_semaphore, #tpu.memory_space<semaphore_mem>>) src(%arg9 : memref<128x128xf32, #tpu.memory_space<vmem>>) dst(%dma_wait3A_152 : memref<128x128xf32, #tpu.memory_space<hbm>>)
      tpu.yield
    }) : () -> ()
    "tpu.region"() ({
      %run_scoped3A_144 = tpu.sem_alloc : memref<!tpu.dma_semaphore, #tpu.memory_space<semaphore_mem>>
      %dma_start3A_145 = arith.constant 0 : i32
      %dma_start3A_146 = tpu.memref_slice %arg6[%add3A_83, %dma_start3A_145] : memref<16384x128xf32, #tpu.memory_space<hbm>> -> memref<128x128xf32, #tpu.memory_space<hbm>>
      %dma_start3A_147 = arith.constant 0 : i32
      %dma_start3A_148 = tpu.memref_slice %arg6[%add3A_83, %dma_start3A_147] : memref<16384x128xf32, #tpu.memory_space<hbm>> -> memref<128x128xf32, #tpu.memory_space<hbm>>
      tpu.enqueue_dma source(%arg10 : memref<128x128xf32, #tpu.memory_space<vmem>>) target(%dma_start3A_148 : memref<128x128xf32, #tpu.memory_space<hbm>>) target_semaphore(%run_scoped3A_144 : memref<!tpu.dma_semaphore, #tpu.memory_space<semaphore_mem>>)
      %dma_wait3A_149 = arith.constant 0 : i32
      %dma_wait3A_150 = tpu.memref_slice %arg6[%add3A_83, %dma_wait3A_149] : memref<16384x128xf32, #tpu.memory_space<hbm>> -> memref<128x128xf32, #tpu.memory_space<hbm>>
      %dma_wait3A_151 = arith.constant 0 : i32
      %dma_wait3A_152 = tpu.memref_slice %arg6[%add3A_83, %dma_wait3A_151] : memref<16384x128xf32, #tpu.memory_space<hbm>> -> memref<128x128xf32, #tpu.memory_space<hbm>>
      tpu.wait_dma2 semaphore(%run_scoped3A_144 : memref<!tpu.dma_semaphore, #tpu.memory_space<semaphore_mem>>) src(%arg10 : memref<128x128xf32, #tpu.memory_space<vmem>>) dst(%dma_wait3A_152 : memref<128x128xf32, #tpu.memory_space<hbm>>)
      tpu.yield
    }) : () -> ()
    %dma_start3A_84 = arith.constant 2 : i32
    %dma_start3A_85 = arith.constant 0 : i32
    %dma_start3A_86 = tpu.memref_slice %arg7[%dma_start3A_84, %dma_start3A_85] : memref<4x128xi32, #tpu.memory_space<vmem>> -> memref<1x128xi32, #tpu.memory_space<vmem>>
    %dma_start3A_87 = tpu.memref_squeeze %dma_start3A_86 : memref<1x128xi32, #tpu.memory_space<vmem>> -> memref<128xi32, #tpu.memory_space<vmem>>
    %dma_start3A_88 = arith.constant 0 : i32
    %dma_start3A_89 = arith.constant 0 : i32
    %dma_start3A_90 = tpu.memref_slice %arg4[%dma_start3A_88, %dma_start3A_89] : memref<1000000x128xf32, #tpu.memory_space<hbm>> -> memref<1000000x128xf32, #tpu.memory_space<hbm>>
    tpu.enqueue_indirect_dma source(%dma_start3A_90 : memref<1000000x128xf32, #tpu.memory_space<hbm>>) target(%arg9 : memref<128x128xf32, #tpu.memory_space<vmem>>) offsets(%dma_start3A_87 : memref<128xi32, #tpu.memory_space<vmem>>) semaphore(%arg11 : memref<!tpu.dma_semaphore, #tpu.memory_space<semaphore_mem>>)
    %dma_start3A_91 = arith.constant 2 : i32
    %dma_start3A_92 = arith.constant 0 : i32
    %dma_start3A_93 = tpu.memref_slice %arg8[%dma_start3A_91, %dma_start3A_92] : memref<4x128xi32, #tpu.memory_space<vmem>> -> memref<1x128xi32, #tpu.memory_space<vmem>>
    %dma_start3A_94 = tpu.memref_squeeze %dma_start3A_93 : memref<1x128xi32, #tpu.memory_space<vmem>> -> memref<128xi32, #tpu.memory_space<vmem>>
    %dma_start3A_95 = arith.constant 0 : i32
    %dma_start3A_96 = arith.constant 0 : i32
    %dma_start3A_97 = tpu.memref_slice %arg4[%dma_start3A_95, %dma_start3A_96] : memref<1000000x128xf32, #tpu.memory_space<hbm>> -> memref<1000000x128xf32, #tpu.memory_space<hbm>>
    tpu.enqueue_indirect_dma source(%dma_start3A_97 : memref<1000000x128xf32, #tpu.memory_space<hbm>>) target(%arg10 : memref<128x128xf32, #tpu.memory_space<vmem>>) offsets(%dma_start3A_94 : memref<128xi32, #tpu.memory_space<vmem>>) semaphore(%arg11 : memref<!tpu.dma_semaphore, #tpu.memory_space<semaphore_mem>>)
    %dma_wait3A_98 = arith.constant 2 : i32
    %dma_wait3A_99 = arith.constant 0 : i32
    %dma_wait3A_100 = tpu.memref_slice %arg7[%dma_wait3A_98, %dma_wait3A_99] : memref<4x128xi32, #tpu.memory_space<vmem>> -> memref<1x128xi32, #tpu.memory_space<vmem>>
    %dma_wait3A_101 = tpu.memref_squeeze %dma_wait3A_100 : memref<1x128xi32, #tpu.memory_space<vmem>> -> memref<128xi32, #tpu.memory_space<vmem>>
    %dma_wait3A_102 = arith.constant 0 : i32
    %dma_wait3A_103 = arith.constant 0 : i32
    %dma_wait3A_104 = tpu.memref_slice %arg4[%dma_wait3A_102, %dma_wait3A_103] : memref<1000000x128xf32, #tpu.memory_space<hbm>> -> memref<1000000x128xf32, #tpu.memory_space<hbm>>
    tpu.wait_indirect_dma semaphore(%arg11 : memref<!tpu.dma_semaphore, #tpu.memory_space<semaphore_mem>>) src(%dma_wait3A_104 : memref<1000000x128xf32, #tpu.memory_space<hbm>>) dst(%arg9 : memref<128x128xf32, #tpu.memory_space<vmem>>)
    %dma_wait3A_105 = arith.constant 2 : i32
    %dma_wait3A_106 = arith.constant 0 : i32
    %dma_wait3A_107 = tpu.memref_slice %arg8[%dma_wait3A_105, %dma_wait3A_106] : memref<4x128xi32, #tpu.memory_space<vmem>> -> memref<1x128xi32, #tpu.memory_space<vmem>>
    %dma_wait3A_108 = tpu.memref_squeeze %dma_wait3A_107 : memref<1x128xi32, #tpu.memory_space<vmem>> -> memref<128xi32, #tpu.memory_space<vmem>>
    %dma_wait3A_109 = arith.constant 0 : i32
    %dma_wait3A_110 = arith.constant 0 : i32
    %dma_wait3A_111 = tpu.memref_slice %arg4[%dma_wait3A_109, %dma_wait3A_110] : memref<1000000x128xf32, #tpu.memory_space<hbm>> -> memref<1000000x128xf32, #tpu.memory_space<hbm>>
    tpu.wait_indirect_dma semaphore(%arg11 : memref<!tpu.dma_semaphore, #tpu.memory_space<semaphore_mem>>) src(%dma_wait3A_111 : memref<1000000x128xf32, #tpu.memory_space<hbm>>) dst(%arg10 : memref<128x128xf32, #tpu.memory_space<vmem>>)
    %add3A_112 = arith.constant 256 : i32
    %add3A_113 = arith.addi %mul3A_2, %add3A_112 : i32
    "tpu.region"() ({
      %run_scoped3A_144 = tpu.sem_alloc : memref<!tpu.dma_semaphore, #tpu.memory_space<semaphore_mem>>
      %dma_start3A_145 = arith.constant 0 : i32
      %dma_start3A_146 = tpu.memref_slice %arg5[%add3A_113, %dma_start3A_145] : memref<16384x128xf32, #tpu.memory_space<hbm>> -> memref<128x128xf32, #tpu.memory_space<hbm>>
      %dma_start3A_147 = arith.constant 0 : i32
      %dma_start3A_148 = tpu.memref_slice %arg5[%add3A_113, %dma_start3A_147] : memref<16384x128xf32, #tpu.memory_space<hbm>> -> memref<128x128xf32, #tpu.memory_space<hbm>>
      tpu.enqueue_dma source(%arg9 : memref<128x128xf32, #tpu.memory_space<vmem>>) target(%dma_start3A_148 : memref<128x128xf32, #tpu.memory_space<hbm>>) target_semaphore(%run_scoped3A_144 : memref<!tpu.dma_semaphore, #tpu.memory_space<semaphore_mem>>)
      %dma_wait3A_149 = arith.constant 0 : i32
      %dma_wait3A_150 = tpu.memref_slice %arg5[%add3A_113, %dma_wait3A_149] : memref<16384x128xf32, #tpu.memory_space<hbm>> -> memref<128x128xf32, #tpu.memory_space<hbm>>
      %dma_wait3A_151 = arith.constant 0 : i32
      %dma_wait3A_152 = tpu.memref_slice %arg5[%add3A_113, %dma_wait3A_151] : memref<16384x128xf32, #tpu.memory_space<hbm>> -> memref<128x128xf32, #tpu.memory_space<hbm>>
      tpu.wait_dma2 semaphore(%run_scoped3A_144 : memref<!tpu.dma_semaphore, #tpu.memory_space<semaphore_mem>>) src(%arg9 : memref<128x128xf32, #tpu.memory_space<vmem>>) dst(%dma_wait3A_152 : memref<128x128xf32, #tpu.memory_space<hbm>>)
      tpu.yield
    }) : () -> ()
    "tpu.region"() ({
      %run_scoped3A_144 = tpu.sem_alloc : memref<!tpu.dma_semaphore, #tpu.memory_space<semaphore_mem>>
      %dma_start3A_145 = arith.constant 0 : i32
      %dma_start3A_146 = tpu.memref_slice %arg6[%add3A_113, %dma_start3A_145] : memref<16384x128xf32, #tpu.memory_space<hbm>> -> memref<128x128xf32, #tpu.memory_space<hbm>>
      %dma_start3A_147 = arith.constant 0 : i32
      %dma_start3A_148 = tpu.memref_slice %arg6[%add3A_113, %dma_start3A_147] : memref<16384x128xf32, #tpu.memory_space<hbm>> -> memref<128x128xf32, #tpu.memory_space<hbm>>
      tpu.enqueue_dma source(%arg10 : memref<128x128xf32, #tpu.memory_space<vmem>>) target(%dma_start3A_148 : memref<128x128xf32, #tpu.memory_space<hbm>>) target_semaphore(%run_scoped3A_144 : memref<!tpu.dma_semaphore, #tpu.memory_space<semaphore_mem>>)
      %dma_wait3A_149 = arith.constant 0 : i32
      %dma_wait3A_150 = tpu.memref_slice %arg6[%add3A_113, %dma_wait3A_149] : memref<16384x128xf32, #tpu.memory_space<hbm>> -> memref<128x128xf32, #tpu.memory_space<hbm>>
      %dma_wait3A_151 = arith.constant 0 : i32
      %dma_wait3A_152 = tpu.memref_slice %arg6[%add3A_113, %dma_wait3A_151] : memref<16384x128xf32, #tpu.memory_space<hbm>> -> memref<128x128xf32, #tpu.memory_space<hbm>>
      tpu.wait_dma2 semaphore(%run_scoped3A_144 : memref<!tpu.dma_semaphore, #tpu.memory_space<semaphore_mem>>) src(%arg10 : memref<128x128xf32, #tpu.memory_space<vmem>>) dst(%dma_wait3A_152 : memref<128x128xf32, #tpu.memory_space<hbm>>)
      tpu.yield
    }) : () -> ()
    %dma_start3A_114 = arith.constant 3 : i32
    %dma_start3A_115 = arith.constant 0 : i32
    %dma_start3A_116 = tpu.memref_slice %arg7[%dma_start3A_114, %dma_start3A_115] : memref<4x128xi32, #tpu.memory_space<vmem>> -> memref<1x128xi32, #tpu.memory_space<vmem>>
    %dma_start3A_117 = tpu.memref_squeeze %dma_start3A_116 : memref<1x128xi32, #tpu.memory_space<vmem>> -> memref<128xi32, #tpu.memory_space<vmem>>
    %dma_start3A_118 = arith.constant 0 : i32
    %dma_start3A_119 = arith.constant 0 : i32
    %dma_start3A_120 = tpu.memref_slice %arg4[%dma_start3A_118, %dma_start3A_119] : memref<1000000x128xf32, #tpu.memory_space<hbm>> -> memref<1000000x128xf32, #tpu.memory_space<hbm>>
    tpu.enqueue_indirect_dma source(%dma_start3A_120 : memref<1000000x128xf32, #tpu.memory_space<hbm>>) target(%arg9 : memref<128x128xf32, #tpu.memory_space<vmem>>) offsets(%dma_start3A_117 : memref<128xi32, #tpu.memory_space<vmem>>) semaphore(%arg11 : memref<!tpu.dma_semaphore, #tpu.memory_space<semaphore_mem>>)
    %dma_start3A_121 = arith.constant 3 : i32
    %dma_start3A_122 = arith.constant 0 : i32
    %dma_start3A_123 = tpu.memref_slice %arg8[%dma_start3A_121, %dma_start3A_122] : memref<4x128xi32, #tpu.memory_space<vmem>> -> memref<1x128xi32, #tpu.memory_space<vmem>>
    %dma_start3A_124 = tpu.memref_squeeze %dma_start3A_123 : memref<1x128xi32, #tpu.memory_space<vmem>> -> memref<128xi32, #tpu.memory_space<vmem>>
    %dma_start3A_125 = arith.constant 0 : i32
    %dma_start3A_126 = arith.constant 0 : i32
    %dma_start3A_127 = tpu.memref_slice %arg4[%dma_start3A_125, %dma_start3A_126] : memref<1000000x128xf32, #tpu.memory_space<hbm>> -> memref<1000000x128xf32, #tpu.memory_space<hbm>>
    tpu.enqueue_indirect_dma source(%dma_start3A_127 : memref<1000000x128xf32, #tpu.memory_space<hbm>>) target(%arg10 : memref<128x128xf32, #tpu.memory_space<vmem>>) offsets(%dma_start3A_124 : memref<128xi32, #tpu.memory_space<vmem>>) semaphore(%arg11 : memref<!tpu.dma_semaphore, #tpu.memory_space<semaphore_mem>>)
    %dma_wait3A_128 = arith.constant 3 : i32
    %dma_wait3A_129 = arith.constant 0 : i32
    %dma_wait3A_130 = tpu.memref_slice %arg7[%dma_wait3A_128, %dma_wait3A_129] : memref<4x128xi32, #tpu.memory_space<vmem>> -> memref<1x128xi32, #tpu.memory_space<vmem>>
    %dma_wait3A_131 = tpu.memref_squeeze %dma_wait3A_130 : memref<1x128xi32, #tpu.memory_space<vmem>> -> memref<128xi32, #tpu.memory_space<vmem>>
    %dma_wait3A_132 = arith.constant 0 : i32
    %dma_wait3A_133 = arith.constant 0 : i32
    %dma_wait3A_134 = tpu.memref_slice %arg4[%dma_wait3A_132, %dma_wait3A_133] : memref<1000000x128xf32, #tpu.memory_space<hbm>> -> memref<1000000x128xf32, #tpu.memory_space<hbm>>
    tpu.wait_indirect_dma semaphore(%arg11 : memref<!tpu.dma_semaphore, #tpu.memory_space<semaphore_mem>>) src(%dma_wait3A_134 : memref<1000000x128xf32, #tpu.memory_space<hbm>>) dst(%arg9 : memref<128x128xf32, #tpu.memory_space<vmem>>)
    %dma_wait3A_135 = arith.constant 3 : i32
    %dma_wait3A_136 = arith.constant 0 : i32
    %dma_wait3A_137 = tpu.memref_slice %arg8[%dma_wait3A_135, %dma_wait3A_136] : memref<4x128xi32, #tpu.memory_space<vmem>> -> memref<1x128xi32, #tpu.memory_space<vmem>>
    %dma_wait3A_138 = tpu.memref_squeeze %dma_wait3A_137 : memref<1x128xi32, #tpu.memory_space<vmem>> -> memref<128xi32, #tpu.memory_space<vmem>>
    %dma_wait3A_139 = arith.constant 0 : i32
    %dma_wait3A_140 = arith.constant 0 : i32
    %dma_wait3A_141 = tpu.memref_slice %arg4[%dma_wait3A_139, %dma_wait3A_140] : memref<1000000x128xf32, #tpu.memory_space<hbm>> -> memref<1000000x128xf32, #tpu.memory_space<hbm>>
    tpu.wait_indirect_dma semaphore(%arg11 : memref<!tpu.dma_semaphore, #tpu.memory_space<semaphore_mem>>) src(%dma_wait3A_141 : memref<1000000x128xf32, #tpu.memory_space<hbm>>) dst(%arg10 : memref<128x128xf32, #tpu.memory_space<vmem>>)
    %add3A_142 = arith.constant 384 : i32
    %add3A_143 = arith.addi %mul3A_2, %add3A_142 : i32
    "tpu.region"() ({
      %run_scoped3A_144 = tpu.sem_alloc : memref<!tpu.dma_semaphore, #tpu.memory_space<semaphore_mem>>
      %dma_start3A_145 = arith.constant 0 : i32
      %dma_start3A_146 = tpu.memref_slice %arg5[%add3A_143, %dma_start3A_145] : memref<16384x128xf32, #tpu.memory_space<hbm>> -> memref<128x128xf32, #tpu.memory_space<hbm>>
      %dma_start3A_147 = arith.constant 0 : i32
      %dma_start3A_148 = tpu.memref_slice %arg5[%add3A_143, %dma_start3A_147] : memref<16384x128xf32, #tpu.memory_space<hbm>> -> memref<128x128xf32, #tpu.memory_space<hbm>>
      tpu.enqueue_dma source(%arg9 : memref<128x128xf32, #tpu.memory_space<vmem>>) target(%dma_start3A_148 : memref<128x128xf32, #tpu.memory_space<hbm>>) target_semaphore(%run_scoped3A_144 : memref<!tpu.dma_semaphore, #tpu.memory_space<semaphore_mem>>)
      %dma_wait3A_149 = arith.constant 0 : i32
      %dma_wait3A_150 = tpu.memref_slice %arg5[%add3A_143, %dma_wait3A_149] : memref<16384x128xf32, #tpu.memory_space<hbm>> -> memref<128x128xf32, #tpu.memory_space<hbm>>
      %dma_wait3A_151 = arith.constant 0 : i32
      %dma_wait3A_152 = tpu.memref_slice %arg5[%add3A_143, %dma_wait3A_151] : memref<16384x128xf32, #tpu.memory_space<hbm>> -> memref<128x128xf32, #tpu.memory_space<hbm>>
      tpu.wait_dma2 semaphore(%run_scoped3A_144 : memref<!tpu.dma_semaphore, #tpu.memory_space<semaphore_mem>>) src(%arg9 : memref<128x128xf32, #tpu.memory_space<vmem>>) dst(%dma_wait3A_152 : memref<128x128xf32, #tpu.memory_space<hbm>>)
      tpu.yield
    }) : () -> ()
    "tpu.region"() ({
      %run_scoped3A_144 = tpu.sem_alloc : memref<!tpu.dma_semaphore, #tpu.memory_space<semaphore_mem>>
      %dma_start3A_145 = arith.constant 0 : i32
      %dma_start3A_146 = tpu.memref_slice %arg6[%add3A_143, %dma_start3A_145] : memref<16384x128xf32, #tpu.memory_space<hbm>> -> memref<128x128xf32, #tpu.memory_space<hbm>>
      %dma_start3A_147 = arith.constant 0 : i32
      %dma_start3A_148 = tpu.memref_slice %arg6[%add3A_143, %dma_start3A_147] : memref<16384x128xf32, #tpu.memory_space<hbm>> -> memref<128x128xf32, #tpu.memory_space<hbm>>
      tpu.enqueue_dma source(%arg10 : memref<128x128xf32, #tpu.memory_space<vmem>>) target(%dma_start3A_148 : memref<128x128xf32, #tpu.memory_space<hbm>>) target_semaphore(%run_scoped3A_144 : memref<!tpu.dma_semaphore, #tpu.memory_space<semaphore_mem>>)
      %dma_wait3A_149 = arith.constant 0 : i32
      %dma_wait3A_150 = tpu.memref_slice %arg6[%add3A_143, %dma_wait3A_149] : memref<16384x128xf32, #tpu.memory_space<hbm>> -> memref<128x128xf32, #tpu.memory_space<hbm>>
      %dma_wait3A_151 = arith.constant 0 : i32
      %dma_wait3A_152 = tpu.memref_slice %arg6[%add3A_143, %dma_wait3A_151] : memref<16384x128xf32, #tpu.memory_space<hbm>> -> memref<128x128xf32, #tpu.memory_space<hbm>>
      tpu.wait_dma2 semaphore(%run_scoped3A_144 : memref<!tpu.dma_semaphore, #tpu.memory_space<semaphore_mem>>) src(%arg10 : memref<128x128xf32, #tpu.memory_space<vmem>>) dst(%dma_wait3A_152 : memref<128x128xf32, #tpu.memory_space<hbm>>)
      tpu.yield
    }) : () -> ()
    return
  }
}

module attributes {stable_mosaic.version = 14 : i64} {
  func.func @_pack_body(%arg0: i32, %arg1: memref<32x4096xf32, #tpu.memory_space<vmem>>, %arg2: memref<32x4096xf32, #tpu.memory_space<vmem>>, %arg3: memref<32x4096xf32, #tpu.memory_space<vmem>>, %arg4: memref<32x4096xf32, #tpu.memory_space<vmem>>, %arg5: memref<4096x128xf32, #tpu.memory_space<vmem>>) attributes {dimension_semantics = [#tpu.dimension_semantics<arbitrary>], iteration_bounds = array<i64: 245>, scalar_prefetch = 0 : i64, scratch_operands = 0 : i64, tpu.core_type = #tpu.core_type<tc>, window_params = [{transform_indices = @transform_0, window_bounds = array<i64: 32, 4096>}, {transform_indices = @transform_1, window_bounds = array<i64: 32, 4096>}, {transform_indices = @transform_2, window_bounds = array<i64: 32, 4096>}, {transform_indices = @transform_3, window_bounds = array<i64: 32, 4096>}, {transform_indices = @transform_4, window_bounds = array<i64: 4096, 128>}]} {
    %get3A = arith.constant 0 : index
    %get3A_0 = arith.constant 0 : index
    %get3A_1 = vector.load %arg1[%get3A, %get3A_0] : memref<32x4096xf32, #tpu.memory_space<vmem>>, vector<32x4096xf32>
    %get3A_2 = arith.constant 0 : index
    %get3A_3 = arith.constant 0 : index
    %get3A_4 = vector.load %arg2[%get3A_2, %get3A_3] : memref<32x4096xf32, #tpu.memory_space<vmem>>, vector<32x4096xf32>
    %get3A_5 = arith.constant 0 : index
    %get3A_6 = arith.constant 0 : index
    %get3A_7 = vector.load %arg3[%get3A_5, %get3A_6] : memref<32x4096xf32, #tpu.memory_space<vmem>>, vector<32x4096xf32>
    %get3A_8 = arith.constant 0 : index
    %get3A_9 = arith.constant 0 : index
    %get3A_10 = vector.load %arg4[%get3A_8, %get3A_9] : memref<32x4096xf32, #tpu.memory_space<vmem>>, vector<32x4096xf32>
    %concatenate3A = tpu.concatenate %get3A_1, %get3A_4, %get3A_7, %get3A_10 in 0 : vector<32x4096xf32>, vector<32x4096xf32>, vector<32x4096xf32>, vector<32x4096xf32> -> vector<128x4096xf32>
    %transpose3A = tpu.transpose %concatenate3A, [1, 0] : vector<128x4096xf32> -> vector<4096x128xf32>
    %swap3A = arith.constant 0 : index
    %swap3A_11 = arith.constant 0 : index
    %swap3A_12 = vector.load %arg5[%swap3A, %swap3A_11] : memref<4096x128xf32, #tpu.memory_space<vmem>>, vector<4096x128xf32>
    tpu.vector_store %arg5[%swap3A, %swap3A_11], %transpose3A {strides = array<i32>} : memref<4096x128xf32, #tpu.memory_space<vmem>>, vector<4096x128xf32>,
    return
  }
  func.func @transform_0(%arg0: i32) -> (i32, i32) {
    %c0_i32 = arith.constant 0 : i32
    %c0_i32_0 = arith.constant 0 : i32
    return %c0_i32, %arg0 : i32, i32
  }
  func.func @transform_1(%arg0: i32) -> (i32, i32) {
    %c0_i32 = arith.constant 0 : i32
    %c0_i32_0 = arith.constant 0 : i32
    return %c0_i32, %arg0 : i32, i32
  }
  func.func @transform_2(%arg0: i32) -> (i32, i32) {
    %c0_i32 = arith.constant 0 : i32
    %c0_i32_0 = arith.constant 0 : i32
    return %c0_i32, %arg0 : i32, i32
  }
  func.func @transform_3(%arg0: i32) -> (i32, i32) {
    %c0_i32 = arith.constant 0 : i32
    %c0_i32_0 = arith.constant 0 : i32
    return %c0_i32, %arg0 : i32, i32
  }
  func.func @transform_4(%arg0: i32) -> (i32, i32) {
    %c0_i32 = arith.constant 0 : i32
    %c0_i32_0 = arith.constant 0 : i32
    return %arg0, %c0_i32 : i32, i32
  }
}

module attributes {stable_mosaic.version = 14 : i64} {
  func.func @_tc_body(%arg0: i32, %arg1: memref<2048x128xf32, #tpu.memory_space<vmem>>, %arg2: memref<2048x128xf32, #tpu.memory_space<vmem>>, %arg3: memref<32x16xf32, #tpu.memory_space<vmem>>, %arg4: memref<32x16xf32, #tpu.memory_space<vmem>>, %arg5: memref<1x16xf32, #tpu.memory_space<vmem>>, %arg6: memref<16x8xf32, #tpu.memory_space<vmem>>, %arg7: memref<1x8xf32, #tpu.memory_space<vmem>>, %arg8: memref<8x4xf32, #tpu.memory_space<vmem>>, %arg9: memref<1x4xf32, #tpu.memory_space<vmem>>, %arg10: memref<1x32xf32, #tpu.memory_space<vmem>>, %arg11: memref<1x4xf32, #tpu.memory_space<vmem>>, %arg12: memref<1x1xf32, #tpu.memory_space<vmem>>, %arg13: memref<2048x1xf32, #tpu.memory_space<vmem>>) attributes {dimension_semantics = [#tpu.dimension_semantics<arbitrary>], iteration_bounds = array<i64: 8>, scalar_prefetch = 0 : i64, scratch_operands = 0 : i64, tpu.core_type = #tpu.core_type<tc>, window_params = [{transform_indices = @transform_0, window_bounds = array<i64: 2048, 128>}, {transform_indices = @transform_1, window_bounds = array<i64: 2048, 128>}, {pipeline_mode = #tpu.pipeline_mode<synchronous>, transform_indices = @transform_2, window_bounds = array<i64: 32, 16>}, {pipeline_mode = #tpu.pipeline_mode<synchronous>, transform_indices = @transform_3, window_bounds = array<i64: 32, 16>}, {pipeline_mode = #tpu.pipeline_mode<synchronous>, transform_indices = @transform_4, window_bounds = array<i64: 1, 16>}, {pipeline_mode = #tpu.pipeline_mode<synchronous>, transform_indices = @transform_5, window_bounds = array<i64: 16, 8>}, {pipeline_mode = #tpu.pipeline_mode<synchronous>, transform_indices = @transform_6, window_bounds = array<i64: 1, 8>}, {pipeline_mode = #tpu.pipeline_mode<synchronous>, transform_indices = @transform_7, window_bounds = array<i64: 8, 4>}, {pipeline_mode = #tpu.pipeline_mode<synchronous>, transform_indices = @transform_8, window_bounds = array<i64: 1, 4>}, {pipeline_mode = #tpu.pipeline_mode<synchronous>, transform_indices = @transform_9, window_bounds = array<i64: 1, 32>}, {pipeline_mode = #tpu.pipeline_mode<synchronous>, transform_indices = @transform_10, window_bounds = array<i64: 1, 4>}, {pipeline_mode = #tpu.pipeline_mode<synchronous>, transform_indices = @transform_11, window_bounds = array<i64: 1, 1>}, {transform_indices = @transform_12, window_bounds = array<i64: 2048, 1>}]} {
    %get3A = arith.constant 0 : index
    %get3A_0 = arith.constant 0 : index
    %get3A_1 = vector.load %arg1[%get3A, %get3A_0] : memref<2048x128xf32, #tpu.memory_space<vmem>>, vector<2048x128xf32>
    %get3A_2 = arith.constant 0 : index
    %get3A_3 = arith.constant 0 : index
    %get3A_4 = vector.load %arg2[%get3A_2, %get3A_3] : memref<2048x128xf32, #tpu.memory_space<vmem>>, vector<2048x128xf32>
    %slice3A = vector.extract_strided_slice %get3A_1 {offsets = [0, 0], sizes = [2048, 32], strides = [1, 1]} : vector<2048x128xf32> to vector<2048x32xf32>
    %slice3A_5 = vector.extract_strided_slice %get3A_4 {offsets = [0, 32], sizes = [2048, 32], strides = [1, 1]} : vector<2048x128xf32> to vector<2048x32xf32>
    %slice3A_6 = vector.extract_strided_slice %get3A_1 {offsets = [0, 64], sizes = [2048, 32], strides = [1, 1]} : vector<2048x128xf32> to vector<2048x32xf32>
    %slice3A_7 = vector.extract_strided_slice %get3A_4 {offsets = [0, 96], sizes = [2048, 32], strides = [1, 1]} : vector<2048x128xf32> to vector<2048x32xf32>
    %get3A_8 = arith.constant 0 : index
    %get3A_9 = arith.constant 0 : index
    %get3A_10 = vector.load %arg3[%get3A_8, %get3A_9] : memref<32x16xf32, #tpu.memory_space<vmem>>, vector<32x16xf32>
    %dot_general3A = arith.constant dense<0.000000e+00> : vector<2048x16xf32>
    %dot_general3A_11 = tpu.matmul %slice3A_6, %get3A_10, %dot_general3A {dimension_numbers = #tpu.dot_dimension_numbers<[1], [0], [0], [1], [0, 0, 1, 1], [], []>, transpose_lhs_hint = false} : vector<2048x32xf32>, vector<32x16xf32>, vector<2048x16xf32> -> vector<2048x16xf32>
    %get3A_12 = arith.constant 0 : index
    %get3A_13 = arith.constant 0 : index
    %get3A_14 = vector.load %arg4[%get3A_12, %get3A_13] : memref<32x16xf32, #tpu.memory_space<vmem>>, vector<32x16xf32>
    %dot_general3A_15 = arith.constant dense<0.000000e+00> : vector<2048x16xf32>
    %dot_general3A_16 = tpu.matmul %slice3A_7, %get3A_14, %dot_general3A_15 {dimension_numbers = #tpu.dot_dimension_numbers<[1], [0], [0], [1], [0, 0, 1, 1], [], []>, transpose_lhs_hint = false} : vector<2048x32xf32>, vector<32x16xf32>, vector<2048x16xf32> -> vector<2048x16xf32>
    %add3A = arith.addf %dot_general3A_11, %dot_general3A_16 : vector<2048x16xf32>
    %get3A_17 = arith.constant 0 : index
    %get3A_18 = arith.constant 0 : index
    %get3A_19 = vector.load %arg5[%get3A_17, %get3A_18] : memref<1x16xf32, #tpu.memory_space<vmem>>, vector<1x16xf32>
    %add3A_20 = vector.broadcast %get3A_19 : vector<1x16xf32> to vector<2048x16xf32>
    %add3A_21 = arith.addf %add3A, %add3A_20 : vector<2048x16xf32>
    %max3A = arith.constant 0.000000e+00 : f32
    %max3A_22 = vector.broadcast %max3A : f32 to vector<2048x16xf32>
    %max3A_23 = arith.maximumf %add3A_21, %max3A_22 : vector<2048x16xf32>
    %get3A_24 = arith.constant 0 : index
    %get3A_25 = arith.constant 0 : index
    %get3A_26 = vector.load %arg6[%get3A_24, %get3A_25] : memref<16x8xf32, #tpu.memory_space<vmem>>, vector<16x8xf32>
    %dot_general3A_27 = arith.constant dense<0.000000e+00> : vector<2048x8xf32>
    %dot_general3A_28 = tpu.matmul %max3A_23, %get3A_26, %dot_general3A_27 {dimension_numbers = #tpu.dot_dimension_numbers<[1], [0], [0], [1], [0, 0, 1, 1], [], []>, transpose_lhs_hint = false} : vector<2048x16xf32>, vector<16x8xf32>, vector<2048x8xf32> -> vector<2048x8xf32>
    %get3A_29 = arith.constant 0 : index
    %get3A_30 = arith.constant 0 : index
    %get3A_31 = vector.load %arg7[%get3A_29, %get3A_30] : memref<1x8xf32, #tpu.memory_space<vmem>>, vector<1x8xf32>
    %add3A_32 = vector.broadcast %get3A_31 : vector<1x8xf32> to vector<2048x8xf32>
    %add3A_33 = arith.addf %dot_general3A_28, %add3A_32 : vector<2048x8xf32>
    %max3A_34 = arith.constant 0.000000e+00 : f32
    %max3A_35 = vector.broadcast %max3A_34 : f32 to vector<2048x8xf32>
    %max3A_36 = arith.maximumf %add3A_33, %max3A_35 : vector<2048x8xf32>
    %get3A_37 = arith.constant 0 : index
    %get3A_38 = arith.constant 0 : index
    %get3A_39 = vector.load %arg8[%get3A_37, %get3A_38] : memref<8x4xf32, #tpu.memory_space<vmem>>, vector<8x4xf32>
    %dot_general3A_40 = arith.constant dense<0.000000e+00> : vector<2048x4xf32>
    %dot_general3A_41 = tpu.matmul %max3A_36, %get3A_39, %dot_general3A_40 {dimension_numbers = #tpu.dot_dimension_numbers<[1], [0], [0], [1], [0, 0, 1, 1], [], []>, transpose_lhs_hint = false} : vector<2048x8xf32>, vector<8x4xf32>, vector<2048x4xf32> -> vector<2048x4xf32>
    %get3A_42 = arith.constant 0 : index
    %get3A_43 = arith.constant 0 : index
    %get3A_44 = vector.load %arg9[%get3A_42, %get3A_43] : memref<1x4xf32, #tpu.memory_space<vmem>>, vector<1x4xf32>
    %add3A_45 = vector.broadcast %get3A_44 : vector<1x4xf32> to vector<2048x4xf32>
    %add3A_46 = arith.addf %dot_general3A_41, %add3A_45 : vector<2048x4xf32>
    %mul3A = arith.mulf %slice3A, %slice3A_5 : vector<2048x32xf32>
    %get3A_47 = arith.constant 0 : index
    %get3A_48 = arith.constant 0 : index
    %get3A_49 = vector.load %arg10[%get3A_47, %get3A_48] : memref<1x32xf32, #tpu.memory_space<vmem>>, vector<1x32xf32>
    %mul3A_50 = vector.broadcast %get3A_49 : vector<1x32xf32> to vector<2048x32xf32>
    %mul3A_51 = arith.mulf %mul3A, %mul3A_50 : vector<2048x32xf32>
    %reduce_sum3A = arith.constant dense<0.000000e+00> : vector<2048xf32>
    %reduce_sum3A_52 = vector.multi_reduction <add>, %mul3A_51, %reduce_sum3A [1] : vector<2048x32xf32> to vector<2048xf32>
    %broadcast_in_dim3A = vector.shape_cast %reduce_sum3A_52 : vector<2048xf32> to vector<2048x1xf32>
    %get3A_53 = arith.constant 0 : index
    %get3A_54 = arith.constant 0 : index
    %get3A_55 = vector.load %arg11[%get3A_53, %get3A_54] : memref<1x4xf32, #tpu.memory_space<vmem>>, vector<1x4xf32>
    %mul3A_56 = vector.broadcast %get3A_55 : vector<1x4xf32> to vector<2048x4xf32>
    %mul3A_57 = arith.mulf %add3A_46, %mul3A_56 : vector<2048x4xf32>
    %reduce_sum3A_58 = arith.constant dense<0.000000e+00> : vector<2048xf32>
    %reduce_sum3A_59 = vector.multi_reduction <add>, %mul3A_57, %reduce_sum3A_58 [1] : vector<2048x4xf32> to vector<2048xf32>
    %broadcast_in_dim3A_60 = vector.shape_cast %reduce_sum3A_59 : vector<2048xf32> to vector<2048x1xf32>
    %add3A_61 = arith.addf %broadcast_in_dim3A, %broadcast_in_dim3A_60 : vector<2048x1xf32>
    %get3A_62 = arith.constant 0 : index
    %get3A_63 = arith.constant 0 : index
    %get3A_64 = vector.load %arg12[%get3A_62, %get3A_63] : memref<1x1xf32, #tpu.memory_space<vmem>>, vector<1x1xf32>
    %add3A_65 = vector.broadcast %get3A_64 : vector<1x1xf32> to vector<2048x1xf32>
    %add3A_66 = arith.addf %add3A_61, %add3A_65 : vector<2048x1xf32>
    %logistic3A = arith.negf %add3A_66 : vector<2048x1xf32>
    %logistic3A_67 = math.exp %logistic3A : vector<2048x1xf32>
    %logistic3A_68 = arith.constant 1.000000e+00 : f32
    %logistic3A_69 = vector.broadcast %logistic3A_68 : f32 to vector<2048x1xf32>
    %logistic3A_70 = arith.addf %logistic3A_69, %logistic3A_67 : vector<2048x1xf32>
    %logistic3A_71 = arith.divf %logistic3A_69, %logistic3A_70 : vector<2048x1xf32>
    %swap3A = arith.constant 0 : index
    %swap3A_72 = arith.constant 0 : index
    %swap3A_73 = vector.load %arg13[%swap3A, %swap3A_72] : memref<2048x1xf32, #tpu.memory_space<vmem>>, vector<2048x1xf32>
    tpu.vector_store %arg13[%swap3A, %swap3A_72], %logistic3A_71 {strides = array<i32>} : memref<2048x1xf32, #tpu.memory_space<vmem>>, vector<2048x1xf32>,
    return
  }
  func.func @transform_0(%arg0: i32) -> (i32, i32) {
    %c0_i32 = arith.constant 0 : i32
    %c0_i32_0 = arith.constant 0 : i32
    return %arg0, %c0_i32 : i32, i32
  }
  func.func @transform_1(%arg0: i32) -> (i32, i32) {
    %c0_i32 = arith.constant 0 : i32
    %c0_i32_0 = arith.constant 0 : i32
    return %arg0, %c0_i32 : i32, i32
  }
  func.func @transform_2(%arg0: i32) -> (i32, i32) {
    %c0_i32 = arith.constant 0 : i32
    %c0_i32_0 = arith.constant 0 : i32
    %c0_i32_1 = arith.constant 0 : i32
    return %c0_i32, %c0_i32_0 : i32, i32
  }
  func.func @transform_3(%arg0: i32) -> (i32, i32) {
    %c0_i32 = arith.constant 0 : i32
    %c0_i32_0 = arith.constant 0 : i32
    %c0_i32_1 = arith.constant 0 : i32
    return %c0_i32, %c0_i32_0 : i32, i32
  }
  func.func @transform_4(%arg0: i32) -> (i32, i32) {
    %c0_i32 = arith.constant 0 : i32
    %c0_i32_0 = arith.constant 0 : i32
    %c0_i32_1 = arith.constant 0 : i32
    return %c0_i32, %c0_i32_0 : i32, i32
  }
  func.func @transform_5(%arg0: i32) -> (i32, i32) {
    %c0_i32 = arith.constant 0 : i32
    %c0_i32_0 = arith.constant 0 : i32
    %c0_i32_1 = arith.constant 0 : i32
    return %c0_i32, %c0_i32_0 : i32, i32
  }
  func.func @transform_6(%arg0: i32) -> (i32, i32) {
    %c0_i32 = arith.constant 0 : i32
    %c0_i32_0 = arith.constant 0 : i32
    %c0_i32_1 = arith.constant 0 : i32
    return %c0_i32, %c0_i32_0 : i32, i32
  }
  func.func @transform_7(%arg0: i32) -> (i32, i32) {
    %c0_i32 = arith.constant 0 : i32
    %c0_i32_0 = arith.constant 0 : i32
    %c0_i32_1 = arith.constant 0 : i32
    return %c0_i32, %c0_i32_0 : i32, i32
  }
  func.func @transform_8(%arg0: i32) -> (i32, i32) {
    %c0_i32 = arith.constant 0 : i32
    %c0_i32_0 = arith.constant 0 : i32
    %c0_i32_1 = arith.constant 0 : i32
    return %c0_i32, %c0_i32_0 : i32, i32
  }
  func.func @transform_9(%arg0: i32) -> (i32, i32) {
    %c0_i32 = arith.constant 0 : i32
    %c0_i32_0 = arith.constant 0 : i32
    %c0_i32_1 = arith.constant 0 : i32
    return %c0_i32, %c0_i32_0 : i32, i32
  }
  func.func @transform_10(%arg0: i32) -> (i32, i32) {
    %c0_i32 = arith.constant 0 : i32
    %c0_i32_0 = arith.constant 0 : i32
    %c0_i32_1 = arith.constant 0 : i32
    return %c0_i32, %c0_i32_0 : i32, i32
  }
  func.func @transform_11(%arg0: i32) -> (i32, i32) {
    %c0_i32 = arith.constant 0 : i32
    %c0_i32_0 = arith.constant 0 : i32
    %c0_i32_1 = arith.constant 0 : i32
    return %c0_i32, %c0_i32_0 : i32, i32
  }
  func.func @transform_12(%arg0: i32) -> (i32, i32) {
    %c0_i32 = arith.constant 0 : i32
    %c0_i32_0 = arith.constant 0 : i32
    return %arg0, %c0_i32 : i32, i32
  }
}

</mosaic_0001>

<sc_bundles>
// kernel: kernel.5.cloned.1.call-start
scs
__scs_entry_jumppad:
0x0: {  	(pc) =	sbr.rel $0x88, $3  }
0x1: {  	(tag) =	ssettag $0x0;
	lr =	simm.s32 $0x1  }
0x2: {  	[smem:$0x3F93] =	sst lr;
	_ =	strace $0xD0000000  }
0x3: {  	_ = 	snop  }
0x4: {  	_ = 	snop  }
0x5: {  	_ = 	snop  }
0x6: {  	_ = 	snop  }
0x7: {  	_ = 	snop  }
__scs_overlays_trampoline_lowered:
0x8: {  	[smem:$0x3FA2] =	sst s0  }
0x9: {  	[smem:$0x3FA3] =	sst s1  }
0xa: {  	[smem:$0x3FA4] =	sst s2  }
0xb: {  	[smem:$0x3FA5] =	sst s3  }
0xc: {  	[smem:$0x3FA6] =	sst s4  }
0xd: {  	[smem:$0x3FA7] =	sst s5  }
0xe: {  	[smem:$0x3FA8] =	sst s6  }
0xf: {  	[smem:$0x3FA9] =	sst s7  }
0x10: {  	[smem:$0x3FAA] =	sst s8  }
0x11: {  	[smem:$0x3FAB] =	sst s9;
	s0 =	simm.s32 @!p0 $0x0  }
0x12: {  	s1 =	sld [smem:$0x3F91];
	s0 =	simm.s32 @p0 $0x1  }
0x13: {  	[smem:$0x3FAC] =	sst s0;
	s0 =	simm.s32 @!p1 $0x0  }
0x14: {  	s2 =	sld [smem:$0x3F90];
	s0 =	simm.s32 @p1 $0x1  }
0x15: {  	[smem:$0x3FAD] =	sst s0;
	s0 =	simm.s32 @!p2 $0x0  }
0x16: {  	s3 =	sld [smem:$0x3FDB];
	s0 =	simm.s32 @p2 $0x1  }
0x17: {  	s4 =	simm.s32 $0x1BF5;
	[smem:$0x3FAF] =	sst s0  }
0x18: {  	s0 =	sld [smem:$0x3F92];
	_ =	swait.ge [sflag:s4], $0x0  }
0x19: {  	s7 =	sld [smem:$0x3F93]  }
0x1a: {  	s8 =	sadd.s32 $0xFFFFE003, lr  }
0x1b: {  	s9 =	sadd.s32 $0xFFFFFEF7, lr;
	s5 =	simm.s32 $0xFFFFFFFF;
	p2 =	slt.u32 s8, $0xFFFFF086  }
0x1c: {  	p1 =	slt.u32 s9, $0xF7A;
	s5 =	simm.s32 @!p2 $0x0  }
0x1d: {  	s5 =	simm.s32 @p1 $0x1;
	p0 =	seq.s32 s7, s2  }
0x1e: {  	s7 =	smul.u32 @!p0 $0xF7A, s2;
	p2 =	seq.s32 @!p0 s5, $0x0  }
0x1f: {  	s9 =	smul.u32 $0xF7A, s1;
	s8 =	simm.s32 @!p0 $0x1BF5;
	p2 =	por !p2, p0  }
0x20: {  	[sflag:s8] =	ssyncset.s32 @!p0 $0xFFFFF086;
	s6 =	sadd.s32 @!p0 s3, s7;
	s7 =	simm.s32 @!p0 $0x108  }
0x21: {  	s3 =	sadd.s32 s3, s9;
	s6 =	sadd.s32 @!p0 $0x88, s6;
	s7 =	simm.s32 @p2 $0x1082  }
0x22: {  	[simem:s7], [sflag:s8] =	dma.local @!p0 [hbm:s6], $0xF7A  }
0x23: {  	s9 =	sor.u32 $0xD0000000, s2;
	s6 =	simm.s32 $0x108;
	_ =	swait.ge @!p0 [sflag:s8], $0x0  }
0x24: {  	s3 =	sadd.s32 $0x88, s3;
	s6 =	simm.s32 @!p1 $0x1082;
	[sflag:s4] =	ssyncset.s32 $0xFFFFF086  }
0x25: {  	[simem:s6], [sflag:s4] =	dma.local [hbm:s3], $0xF7A  }
0x26: {  	[smem:$0x3F93] =	sst s1;
	(tag) =	ssettag s2;
	_ =	strace s9  }
0x27: {  	s1 =	sld [smem:$0x3FA3]  }
0x28: {  	s2 =	sld [smem:$0x3FA4]  }
0x29: {  	s4 =	sld [smem:$0x3FA6]  }
0x2a: {  	p0 =	seq.s32 s5, $0x0;
	s5 =	sld [smem:$0x3FA7]  }
0x2b: {  	s6 =	sld [smem:$0x3FA8]  }
0x2c: {  	s7 =	sld [smem:$0x3FA9]  }
0x2d: {  	s3 =	simm.s32 $0x108;
	s8 =	sld [smem:$0x3FAA]  }
0x2e: {  	s3 =	simm.s32 @!p0 $0x1082;
	s9 =	sld [smem:$0x3FAB]  }
0x2f: {  	lr =	sadd.s32 s0, s3;
	s0 =	sld [smem:$0x3FA2]  }
0x30: {  	s3 =	sld [smem:$0x3FA5]  }
0x31: {  	[smem:$0x3FAE] =	sst s10  }
0x32: {  	s10 =	sld [smem:$0x3FAC];
	_ =	sdelay $0x3  }
0x33: {  	p0 =	seq.s32 s10, $0x1;
	s10 =	sld [smem:$0x3FAE];
	_ =	sdelay $0x3  }
0x34: {  	[smem:$0x3FAE] =	sst s10  }
0x35: {  	s10 =	sld [smem:$0x3FAD];
	_ =	sdelay $0x3  }
0x36: {  	p1 =	seq.s32 s10, $0x1;
	s10 =	sld [smem:$0x3FAE];
	_ =	sdelay $0x3  }
0x37: {  	[smem:$0x3FAE] =	sst s10  }
0x38: {  	s10 =	sld [smem:$0x3FAF]  }
0x39: {  	_ = 	snop;
	(pc) =	sbr.ind lr, $3  }
0x3a: {  	_ = 	snop  }
0x3b: {  	_ = 	snop  }
0x3c: {  	p2 =	seq.s32 s10, $0x1;
	s10 =	sld [smem:$0x3FAE]  }
0x3d: {  	_ =	shalt  }
0x3e: {  	_ =	shalt  }
0x3f: {  	_ =	shalt  }
0x40: {  	_ =	shalt  }
0x41: {  	_ =	shalt  }
0x42: {  	_ =	shalt  }
0x43: {  	_ =	shalt  }
0x44: {  	_ =	shalt  }
0x45: {  	_ =	shalt  }
0x46: {  	_ =	shalt  }
0x47: {  	_ =	shalt  }
0x48: {  	_ =	shalt  }
0x49: {  	_ =	shalt  }
0x4a: {  	_ =	shalt  }
0x4b: {  	_ =	shalt  }
0x4c: {  	_ =	shalt  }
0x4d: {  	_ =	shalt  }
0x4e: {  	_ =	shalt  }
0x4f: {  	_ =	shalt  }
0x50: {  	_ =	shalt  }
0x51: {  	_ =	shalt  }
0x52: {  	_ =	shalt  }
0x53: {  	_ =	shalt  }
0x54: {  	_ =	shalt  }
0x55: {  	_ =	shalt  }
0x56: {  	_ =	shalt  }
0x57: {  	_ =	shalt  }
0x58: {  	_ =	shalt  }
0x59: {  	_ =	shalt  }
0x5a: {  	_ =	shalt  }
0x5b: {  	_ =	shalt  }
0x5c: {  	_ =	shalt  }
0x5d: {  	_ =	shalt  }
0x5e: {  	_ =	shalt  }
0x5f: {  	_ =	shalt  }
0x60: {  	_ =	shalt  }
0x61: {  	_ =	shalt  }
0x62: {  	_ =	shalt  }
0x63: {  	_ =	shalt  }
0x64: {  	_ =	shalt  }
0x65: {  	_ =	shalt  }
0x66: {  	_ =	shalt  }
0x67: {  	_ =	shalt  }
0x68: {  	_ =	shalt  }
0x69: {  	_ =	shalt  }
0x6a: {  	_ =	shalt  }
0x6b: {  	_ =	shalt  }
0x6c: {  	_ =	shalt  }
0x6d: {  	_ =	shalt  }
0x6e: {  	_ =	shalt  }
0x6f: {  	_ =	shalt  }
0x70: {  	_ =	shalt  }
0x71: {  	_ =	shalt  }
0x72: {  	_ =	shalt  }
0x73: {  	_ =	shalt  }
0x74: {  	_ =	shalt  }
0x75: {  	_ =	shalt  }
0x76: {  	_ =	shalt  }
0x77: {  	_ =	shalt  }
0x78: {  	_ =	shalt  }
0x79: {  	_ =	shalt  }
0x7a: {  	_ =	shalt  }
0x7b: {  	_ =	shalt  }
0x7c: {  	_ =	shalt  }
0x7d: {  	_ =	shalt  }
0x7e: {  	_ =	shalt  }
0x7f: {  	_ =	shalt  }
0x80: {  	_ =	shalt  }
0x81: {  	_ =	shalt  }
0x82: {  	_ =	shalt  }
0x83: {  	_ =	shalt  }
0x84: {  	_ =	shalt  }
0x85: {  	_ =	shalt  }
0x86: {  	_ =	shalt  }
0x87: {  	_ =	shalt  }
.Lfunc_end0:
.L_simem_size_0:
called_computation_lowered:
.L_overlay_start_0:
0x88: {  	s2 =	sld [smem:$0x3FD9]  }
0x89: {  	s3 =	sld [smem:$0x3FFE];
	_ =	sdelay $0x1  }
0x8a: {  	s1 =	srdreg.scid  }
0x8b: {  	s0 =	sand.u32 $0x1, s1  }
0x8c: {  	s17 =	sshll.u32 s0, $0xA;
	s2 =	sadd.s32 s3, s2  }
0x8d: {  	s2 =	sadd.s32 s2, s17  }
0x8e: {  	[smem:$0x3FBA] =	sst s2  }
0x8f: {  	_ = 	snop  }
0x90: {  	s2 =	sld [smem:$0x3FC9]  }
0x91: {  	s18 =	sld [smem:$0x3FC8];
	(tm) =	ssettm $0x1  }
0x92: {  	s4 =	sld [smem:$0x3FFB];
	_ =	sdelay $0x3  }
0x93: {  	_ =	strace s4  }
0x94: {  	s4 =	sld [smem:$0x3FFC];
	_ =	sdelay $0x3  }
0x95: {  	_ =	strace s4  }
0x96: {  	s4 =	sld [smem:$0x3FFD];
	_ =	sdelay $0x3  }
0x97: {  	_ =	strace s4  }
0x98: {  	_ =	strace $0x8FFFFFFF  }
0x99: {  	s19 =	sld [smem:$0x3FDB];
	_ =	sdelay $0x1  }
0x9a: {  	s5 =	simm.s32 $_scs_section_size  }
0x9b: {  	s6 =	simm.s32 $_size__tile_overlayer_lowered;
	s7 =	simm.s32 $_tile_overlayer_lowered  }
0x9c: {  	s22 =	simm.s32 $0x1BFF;
	s21 =	sshll.u32 s7, $0x1;
	s4 =	sadd.s32 s5, s19  }
0x9d: {  	s8 =	simm.s32 $0x0;
	s20 =	sshll.u32 s6, $0x1;
	s6 =	sadd.s32 s21, s4  }
0x9e: {  	[timem:s8], [sflag:s22] =	dma.local [hbm:s6], s20  }
0x9f: {  	_ =	swait.ge [sflag:s22], s20  }
0xa0: {  	s5 =	ssub.s32 $0x0, s20;
	[sflag:s22] =	ssyncset.done $0x0  }
0xa1: {  	[sflag:s22] =	ssyncadd.s32 s5;
	_ =	sdelay $0x1  }
0xa2: {  	s23 =	simm.s32 $0x1B8B  }
0xa3: {  	_ =	swait.ge [sflag:s23], $0x1  }
0xa4: {  	[sflag:s23] =	ssyncset.done $0x0  }
0xa5: {  	s25 =	simm.s32 $0x1B8E;
	s24 =	sld [smem:$0x3FFE];
	[sflag:s23] =	ssyncadd.s32 $0xFFFFFFFF  }
0xa6: {  	s26 =	simm.s32 $execute0_lowered;
	[smem:$0x3FD2] =	sst s25  }
0xa7: {  	s6 =	sshll.u32 s26, $0x1;
	_ =	strace $0x80000046;
	[dreg:$0x1] =	wrdreg $0xFFFFFFFF  }
0xa8: {  	s28 =	simm.s32 $_size_execute0_lowered;
	s4 =	sadd.s32 s4, s6;
	[dreg:$0x0] =	wrdreg $0x0  }
0xa9: {  	s6 =	sshll.u32 s28, $0x1;
	[dreg:$0x2] =	wrdreg s4  }
0xaa: {  	[dreg:$0x3] =	wrdreg s6  }
0xab: {  	[dreg:$0x4] =	wrdreg $0xC0  }
0xac: {  	_ =	task [dreg:s8], $0x5FFFF  }
0xad: {  	[dreg:$0x1] =	wrdreg $0xFFFFFFFF  }
0xae: {  	[dreg:$0x0] =	wrdreg $0x60  }
0xaf: {  	[dreg:$0x2] =	wrdreg s2  }
0xb0: {  	[dreg:$0x3] =	wrdreg s18  }
0xb1: {  	[dreg:$0x4] =	wrdreg s24  }
0xb2: {  	[dreg:$0x5] =	wrdreg $0x9  }
0xb3: {  	_ =	task.clear_ibuf [dreg:s8], $0x6FFFF;
	_ =	strace $0x90000046  }
0xb4: {  	s29 =	simm.s32 $0x9;
	_ =	strace $0x80000048  }
0xb5: {  	_ =	swait.ge [sflag:s29], $0x1  }
0xb6: {  	[sflag:s29] =	ssyncadd.s32 $0xFFFFFFFF  }
0xb7: {  	_ =	strace $0x90000048  }
0xb8: {  	_ =	sfence  }
0xb9: {  	s30 =	sld [smem:$0x0];
	_ =	sdelay $0x2  }
0xba: {  	s31 =	sshll.u32 s1, $0xD;
	s1 =	sshrl.u32 s1, $0x2  }
0xbb: {  	s3 =	sand.u32 $0x4000, s31;
	s1 =	sadd.s32 s1, s30  }
0xbc: {  	s0 =	sor.u32 s3, s0;
	s1 =	sshll.u32 s1, $0x11  }
0xbd: {  	s0 =	sor.u32 s1, s0  }
0xbe: {  	s0 =	sadd.s32 $0x8F2B, s0  }
0xbf: {  	[sflag:s0] =	ssyncadd.remote.s32 $0x1  }
0xc0: {  	_ =	sfence.sel $0xFFFF  }
0xc1: {  	[dreg:$0x0] =	wrdreg $0xFFFFFFFF;
	(pc) =	sbr.abs _section_cstart, $3  }
0xc2: {  	[dreg:$0x1] =	wrdreg $0xFFFFFFFF  }
0xc3: {  	_ =	task.clear_ibuf [dreg:s8], $0x2FFFF;
	_ =	strace $0x9FFFFFFF  }
0xc4: {  	(tm) =	ssettm $0x7FFFFFFF  }
0xc5: {  	_ =	shalt  }
tec
execute0_lowered:
.L_overlay_start_1:
0x0: {  	(tag) =	ssettag $0x1  }
0x1: {  	s1 =	srdreg.scid  }
0x2: {  	s0 =	stileid.u32;
	s29 =	sand.u32 $0x1, s1  }
0x3: {  	s14 =	rddreg [dreg:$0x0];
	s3 =	sshll.u32 s0, $0xA;
	s4 =	sshll.u32 s29, $0x9  }
0x4: {  	s16 =	rddreg [dreg:$0x1];
	s22 =	sor.u32 s4, s3  }
0x5: {  	s23 =	rddreg [dreg:$0x2];
	s2 =	simm.s32 $0x0;
	s4 =	sshrl.u32 s22, $0x3  }
0x6: {  	[smem:$0x7FF] =	sst s2;
	s26 =	sadd.s32 s14, s4  }
0x7: {  	_ =	strace $0x80000047;
	[dreg:$0x4] =	wrdreg s26  }
0x8: {  	s3 =	simm.s32 $0x2;
	s5 =	rddreg [dreg:$0x4]  }
0x9: {  	[tilespmem:s2], [sflag:$0x2] =	stream.linear.gather [hbm4b:s5+s2], $0x80, $0x38;
	[tilespmem:$0x8400] =	vst v63  }
0xa: {  	_ =	swait.ge [sflag:s3], $0x80  }
0xb: {  	[sflag:s3] =	ssyncset.done $0x0  }
0xc: {  	s4 =	sadd.s32 s16, s4;
	s5 =	simm.s32 $0x200;
	[sflag:s3] =	ssyncadd.s32 $0xFFFFFF80  }
0xd: {  	[tilespmem:s5], [sflag:$0x2] =	stream.linear.gather [hbm4b:s4+s2], $0x80, $0x38;
	[tilespmem:$0x8400] =	vst v63  }
0xe: {  	s24 =	sor.u32 $0x80, s22;
	_ =	swait.ge [sflag:s3], $0x80  }
0xf: {  	s8 =	sshrl.u32 s24, $0x3;
	[sflag:s3] =	ssyncset.done $0x0  }
0x10: {  	s7 =	simm.s32 $0x80;
	s6 =	sadd.s32 s14, s8;
	[sflag:s3] =	ssyncadd.s32 $0xFFFFFF80  }
0x11: {  	[tilespmem:s7], [sflag:$0x2] =	stream.linear.gather [hbm4b:s6+s2], $0x80, $0x38;
	[tilespmem:$0x8400] =	vst v63  }
0x12: {  	_ =	swait.ge [sflag:s3], $0x80  }
0x13: {  	[sflag:s3] =	ssyncset.done $0x0  }
0x14: {  	s9 =	simm.s32 $0x280;
	s8 =	sadd.s32 s16, s8;
	[sflag:s3] =	ssyncadd.s32 $0xFFFFFF80  }
0x15: {  	[tilespmem:s9], [sflag:$0x2] =	stream.linear.gather [hbm4b:s8+s2], $0x80, $0x38;
	[tilespmem:$0x8400] =	vst v63  }
0x16: {  	s26 =	sor.u32 $0x100, s22;
	_ =	swait.ge [sflag:s3], $0x80  }
0x17: {  	s12 =	sshrl.u32 s26, $0x3;
	[sflag:s3] =	ssyncset.done $0x0  }
0x18: {  	s11 =	simm.s32 $0x100;
	s10 =	sadd.s32 s14, s12;
	[sflag:s3] =	ssyncadd.s32 $0xFFFFFF80  }
0x19: {  	[tilespmem:s11], [sflag:$0x2] =	stream.linear.gather [hbm4b:s10+s2], $0x80, $0x38;
	[tilespmem:$0x8400] =	vst v63  }
0x1a: {  	_ =	swait.ge [sflag:s3], $0x80  }
0x1b: {  	[sflag:s3] =	ssyncset.done $0x0  }
0x1c: {  	s13 =	simm.s32 $0x300;
	s12 =	sadd.s32 s16, s12;
	[sflag:s3] =	ssyncadd.s32 $0xFFFFFF80  }
0x1d: {  	[tilespmem:s13], [sflag:$0x2] =	stream.linear.gather [hbm4b:s12+s2], $0x80, $0x38;
	[tilespmem:$0x8400] =	vst v63  }
0x1e: {  	s30 =	sor.u32 $0x180, s22;
	_ =	swait.ge [sflag:s3], $0x80  }
0x1f: {  	s17 =	sshrl.u32 s30, $0x3;
	[sflag:s3] =	ssyncset.done $0x0  }
0x20: {  	s15 =	simm.s32 $0x180;
	s14 =	sadd.s32 s14, s17;
	[sflag:s3] =	ssyncadd.s32 $0xFFFFFF80  }
0x21: {  	[tilespmem:s15], [sflag:$0x2] =	stream.linear.gather [hbm4b:s14+s2], $0x80, $0x38;
	[tilespmem:$0x8400] =	vst v63  }
0x22: {  	_ =	swait.ge [sflag:s3], $0x80  }
0x23: {  	[sflag:s3] =	ssyncset.done $0x0  }
0x24: {  	s16 =	sadd.s32 s16, s17;
	s17 =	simm.s32 $0x380;
	[sflag:s3] =	ssyncadd.s32 $0xFFFFFF80  }
0x25: {  	[tilespmem:s17], [sflag:$0x2] =	stream.linear.gather [hbm4b:s16+s2], $0x80, $0x38;
	[tilespmem:$0x8400] =	vst v63  }
0x26: {  	_ =	swait.ge [sflag:s3], $0x80  }
0x27: {  	[sflag:s3] =	ssyncset.done $0x0  }
0x28: {  	s19 =	simm.s32 $0x400;
	s18 =	sadd.s32 $0x1A00, s23;
	[sflag:s3] =	ssyncadd.s32 $0xFFFFFF80  }
0x29: {  	[tilespmem:s19], [sflag:$0x1] =	stream.indirect.gather [hbm4b:s18+s7], $0x80, s2, s7, $0xb8;
	[tilespmem:$0x8400] =	vst v63  }
0x2a: {  	s20 =	simm.s32 $0x4400;
	s21 =	simm.s32 $0x1  }
0x2b: {  	[tilespmem:s20], [sflag:$0x1] =	stream.indirect.gather [hbm4b:s18+s7], $0x80, s5, s7, $0xb8;
	[tilespmem:$0x8400] =	vst v63  }
0x2c: {  	_ =	swait.ge [sflag:s21], $0x4000  }
0x2d: {  	[sflag:s21] =	ssyncset.done $0x0  }
0x2e: {  	[sflag:s21] =	ssyncadd.s32 $0xFFFFC000  }
0x2f: {  	_ =	swait.ge [sflag:s21], $0x4000  }
0x30: {  	s31 =	sadd.s32 $0xF43E00, s23;
	s25 =	sshll.u32 s22, $0x4;
	[sflag:s21] =	ssyncset.done $0x0  }
0x31: {  	s22 =	sadd.s32 s31, s25;
	[sflag:s21] =	ssyncadd.s32 $0xFFFFC000  }
0x32: {  	[hbm4b:s22+s2] =	stream.linear.scatter [tilespmem:s19], [sflag:$0x2], $0x4000, $0x38;
	[tilespmem:$0x8400] =	vst v63  }
0x33: {  	_ =	swait.ge [sflag:s3], $0x4000  }
0x34: {  	s1 =	sadd.s32 $0xF83E00, s23;
	[sflag:s3] =	ssyncset.done $0x0  }
0x35: {  	s23 =	sadd.s32 s1, s25;
	[sflag:s3] =	ssyncadd.s32 $0xFFFFC000  }
0x36: {  	[hbm4b:s23+s2] =	stream.linear.scatter [tilespmem:s20], [sflag:$0x2], $0x4000, $0x38;
	[tilespmem:$0x8400] =	vst v63  }
0x37: {  	_ =	swait.ge [sflag:s3], $0x4000  }
0x38: {  	[sflag:s3] =	ssyncset.done $0x0  }
0x39: {  	[sflag:s3] =	ssyncadd.s32 $0xFFFFC000  }
0x3a: {  	[tilespmem:s19], [sflag:$0x1] =	stream.indirect.gather [hbm4b:s18+s7], $0x80, s7, s7, $0xb8;
	[tilespmem:$0x8400] =	vst v63  }
0x3b: {  	_ = 	snop  }
0x3c: {  	[tilespmem:s20], [sflag:$0x1] =	stream.indirect.gather [hbm4b:s18+s7], $0x80, s9, s7, $0xb8;
	[tilespmem:$0x8400] =	vst v63  }
0x3d: {  	_ =	swait.ge [sflag:s21], $0x4000  }
0x3e: {  	[sflag:s21] =	ssyncset.done $0x0  }
0x3f: {  	[sflag:s21] =	ssyncadd.s32 $0xFFFFC000  }
0x40: {  	_ =	swait.ge [sflag:s21], $0x4000  }
0x41: {  	s0 =	sshll.u32 s24, $0x4;
	[sflag:s21] =	ssyncset.done $0x0  }
0x42: {  	s24 =	sadd.s32 s31, s0;
	[sflag:s21] =	ssyncadd.s32 $0xFFFFC000  }
0x43: {  	[hbm4b:s24+s2] =	stream.linear.scatter [tilespmem:s19], [sflag:$0x2], $0x4000, $0x38;
	[tilespmem:$0x8400] =	vst v63  }
0x44: {  	_ =	swait.ge [sflag:s3], $0x4000  }
0x45: {  	[sflag:s3] =	ssyncset.done $0x0  }
0x46: {  	s25 =	sadd.s32 s1, s0;
	[sflag:s3] =	ssyncadd.s32 $0xFFFFC000  }
0x47: {  	[hbm4b:s25+s2] =	stream.linear.scatter [tilespmem:s20], [sflag:$0x2], $0x4000, $0x38;
	[tilespmem:$0x8400] =	vst v63  }
0x48: {  	_ =	swait.ge [sflag:s3], $0x4000  }
0x49: {  	[sflag:s3] =	ssyncset.done $0x0  }
0x4a: {  	[sflag:s3] =	ssyncadd.s32 $0xFFFFC000  }
0x4b: {  	[tilespmem:s19], [sflag:$0x1] =	stream.indirect.gather [hbm4b:s18+s7], $0x80, s11, s7, $0xb8;
	[tilespmem:$0x8400] =	vst v63  }
0x4c: {  	_ = 	snop  }
0x4d: {  	[tilespmem:s20], [sflag:$0x1] =	stream.indirect.gather [hbm4b:s18+s7], $0x80, s13, s7, $0xb8;
	[tilespmem:$0x8400] =	vst v63  }
0x4e: {  	_ =	swait.ge [sflag:s21], $0x4000  }
0x4f: {  	[sflag:s21] =	ssyncset.done $0x0  }
0x50: {  	[sflag:s21] =	ssyncadd.s32 $0xFFFFC000  }
0x51: {  	_ =	swait.ge [sflag:s21], $0x4000  }
0x52: {  	s28 =	sshll.u32 s26, $0x4;
	[sflag:s21] =	ssyncset.done $0x0  }
0x53: {  	s26 =	sadd.s32 s31, s28;
	[sflag:s21] =	ssyncadd.s32 $0xFFFFC000  }
0x54: {  	[hbm4b:s26+s2] =	stream.linear.scatter [tilespmem:s19], [sflag:$0x2], $0x4000, $0x38;
	[tilespmem:$0x8400] =	vst v63  }
0x55: {  	_ =	swait.ge [sflag:s3], $0x4000  }
0x56: {  	[sflag:s3] =	ssyncset.done $0x0  }
0x57: {  	s28 =	sadd.s32 s1, s28;
	[sflag:s3] =	ssyncadd.s32 $0xFFFFC000  }
0x58: {  	[hbm4b:s28+s2] =	stream.linear.scatter [tilespmem:s20], [sflag:$0x2], $0x4000, $0x38;
	[tilespmem:$0x8400] =	vst v63  }
0x59: {  	_ =	swait.ge [sflag:s3], $0x4000  }
0x5a: {  	[sflag:s3] =	ssyncset.done $0x0  }
0x5b: {  	[sflag:s3] =	ssyncadd.s32 $0xFFFFC000  }
0x5c: {  	[tilespmem:s19], [sflag:$0x1] =	stream.indirect.gather [hbm4b:s18+s7], $0x80, s15, s7, $0xb8;
	[tilespmem:$0x8400] =	vst v63  }
0x5d: {  	_ = 	snop  }
0x5e: {  	[tilespmem:s20], [sflag:$0x1] =	stream.indirect.gather [hbm4b:s18+s7], $0x80, s17, s7, $0xb8;
	[tilespmem:$0x8400] =	vst v63  }
0x5f: {  	_ =	swait.ge [sflag:s21], $0x4000  }
0x60: {  	s30 =	sshll.u32 s30, $0x4;
	s0 =	ssub.s32 $0x2, s29;
	[sflag:s21] =	ssyncset.done $0x0  }
0x61: {  	s29 =	sadd.s32 s31, s30;
	s31 =	sshrl.u32 s0, $0x1;
	[sflag:s21] =	ssyncadd.s32 $0xFFFFC000  }
0x62: {  	s0 =	ssub.s32 s0, s31;
	_ =	swait.ge [sflag:s21], $0x4000  }
0x63: {  	s0 =	smax.u32 s0, $0x1;
	[sflag:s21] =	ssyncset.done $0x0  }
0x64: {  	p0 =	sne.s32 s0, $0x1;
	[sflag:s21] =	ssyncadd.s32 $0xFFFFC000  }
0x65: {  	[hbm4b:s29+s2] =	stream.linear.scatter [tilespmem:s19], [sflag:$0x2], $0x4000, $0x38;
	[tilespmem:$0x8400] =	vst v63  }
.Ltmp0:
0x66: {  	_ =	swait.ge [sflag:s3], $0x4000;
	(pc) =	sbr.rel @!p0 .LBB2_2-.Ltmp0, $4  }
0x67: {  	[sflag:s3] =	ssyncset.done $0x0  }
0x68: {  	s30 =	sadd.s32 s1, s30;
	[sflag:s3] =	ssyncadd.s32 $0xFFFFC000  }
0x69: {  	[hbm4b:s30+s2] =	stream.linear.scatter [tilespmem:s20], [sflag:$0x2], $0x4000, $0x38;
	[tilespmem:$0x8400] =	vst v63  }
0x6a: {  	s31 =	sadd.s32 $0xFFFFFFFF, s0;
	_ =	swait.ge [sflag:s3], $0x4000  }
.LBB2_1:
0x6b: {  	[sflag:s3] =	ssyncset.done $0x0  }
0x6c: {  	s0 =	rddreg [dreg:$0x4];
	[sflag:s3] =	ssyncadd.s32 $0xFFFFC000  }
0x6d: {  	[tilespmem:s2], [sflag:$0x2] =	stream.linear.gather [hbm4b:s0+s2], $0x80, $0x38;
	[tilespmem:$0x8400] =	vst v63  }
0x6e: {  	_ =	swait.ge [sflag:s3], $0x80  }
0x6f: {  	[sflag:s3] =	ssyncset.done $0x0  }
0x70: {  	[sflag:s3] =	ssyncadd.s32 $0xFFFFFF80  }
0x71: {  	[tilespmem:s5], [sflag:$0x2] =	stream.linear.gather [hbm4b:s4+s2], $0x80, $0x38;
	[tilespmem:$0x8400] =	vst v63  }
0x72: {  	_ =	swait.ge [sflag:s3], $0x80  }
0x73: {  	[sflag:s3] =	ssyncset.done $0x0  }
0x74: {  	[sflag:s3] =	ssyncadd.s32 $0xFFFFFF80  }
0x75: {  	[tilespmem:s7], [sflag:$0x2] =	stream.linear.gather [hbm4b:s6+s2], $0x80, $0x38;
	[tilespmem:$0x8400] =	vst v63  }
0x76: {  	_ =	swait.ge [sflag:s3], $0x80  }
0x77: {  	[sflag:s3] =	ssyncset.done $0x0  }
0x78: {  	[sflag:s3] =	ssyncadd.s32 $0xFFFFFF80  }
0x79: {  	[tilespmem:s9], [sflag:$0x2] =	stream.linear.gather [hbm4b:s8+s2], $0x80, $0x38;
	[tilespmem:$0x8400] =	vst v63  }
0x7a: {  	_ =	swait.ge [sflag:s3], $0x80  }
0x7b: {  	[sflag:s3] =	ssyncset.done $0x0  }
0x7c: {  	[sflag:s3] =	ssyncadd.s32 $0xFFFFFF80  }
0x7d: {  	[tilespmem:s11], [sflag:$0x2] =	stream.linear.gather [hbm4b:s10+s2], $0x80, $0x38;
	[tilespmem:$0x8400] =	vst v63  }
0x7e: {  	_ =	swait.ge [sflag:s3], $0x80  }
0x7f: {  	[sflag:s3] =	ssyncset.done $0x0  }
0x80: {  	[sflag:s3] =	ssyncadd.s32 $0xFFFFFF80  }
0x81: {  	[tilespmem:s13], [sflag:$0x2] =	stream.linear.gather [hbm4b:s12+s2], $0x80, $0x38;
	[tilespmem:$0x8400] =	vst v63  }
0x82: {  	_ =	swait.ge [sflag:s3], $0x80  }
0x83: {  	[sflag:s3] =	ssyncset.done $0x0  }
0x84: {  	[sflag:s3] =	ssyncadd.s32 $0xFFFFFF80  }
0x85: {  	[tilespmem:s15], [sflag:$0x2] =	stream.linear.gather [hbm4b:s14+s2], $0x80, $0x38;
	[tilespmem:$0x8400] =	vst v63  }
0x86: {  	_ =	swait.ge [sflag:s3], $0x80  }
0x87: {  	[sflag:s3] =	ssyncset.done $0x0  }
0x88: {  	[sflag:s3] =	ssyncadd.s32 $0xFFFFFF80  }
0x89: {  	[tilespmem:s17], [sflag:$0x2] =	stream.linear.gather [hbm4b:s16+s2], $0x80, $0x38;
	[tilespmem:$0x8400] =	vst v63  }
0x8a: {  	_ =	swait.ge [sflag:s3], $0x80  }
0x8b: {  	[sflag:s3] =	ssyncset.done $0x0  }
0x8c: {  	[sflag:s3] =	ssyncadd.s32 $0xFFFFFF80  }
0x8d: {  	[tilespmem:s19], [sflag:$0x1] =	stream.indirect.gather [hbm4b:s18+s7], $0x80, s2, s7, $0xb8;
	[tilespmem:$0x8400] =	vst v63  }
0x8e: {  	_ = 	snop  }
0x8f: {  	[tilespmem:s20], [sflag:$0x1] =	stream.indirect.gather [hbm4b:s18+s7], $0x80, s5, s7, $0xb8;
	[tilespmem:$0x8400] =	vst v63  }
0x90: {  	_ =	swait.ge [sflag:s21], $0x4000  }
0x91: {  	[sflag:s21] =	ssyncset.done $0x0  }
0x92: {  	[sflag:s21] =	ssyncadd.s32 $0xFFFFC000  }
0x93: {  	_ =	swait.ge [sflag:s21], $0x4000  }
0x94: {  	[sflag:s21] =	ssyncset.done $0x0  }
0x95: {  	[sflag:s21] =	ssyncadd.s32 $0xFFFFC000  }
0x96: {  	[hbm4b:s22+s2] =	stream.linear.scatter [tilespmem:s19], [sflag:$0x2], $0x4000, $0x38;
	[tilespmem:$0x8400] =	vst v63  }
0x97: {  	_ =	swait.ge [sflag:s3], $0x4000  }
0x98: {  	[sflag:s3] =	ssyncset.done $0x0  }
0x99: {  	[sflag:s3] =	ssyncadd.s32 $0xFFFFC000  }
0x9a: {  	[hbm4b:s23+s2] =	stream.linear.scatter [tilespmem:s20], [sflag:$0x2], $0x4000, $0x38;
	[tilespmem:$0x8400] =	vst v63  }
0x9b: {  	_ =	swait.ge [sflag:s3], $0x4000  }
0x9c: {  	[sflag:s3] =	ssyncset.done $0x0  }
0x9d: {  	[sflag:s3] =	ssyncadd.s32 $0xFFFFC000  }
0x9e: {  	[tilespmem:s19], [sflag:$0x1] =	stream.indirect.gather [hbm4b:s18+s7], $0x80, s7, s7, $0xb8;
	[tilespmem:$0x8400] =	vst v63  }
0x9f: {  	_ = 	snop  }
0xa0: {  	[tilespmem:s20], [sflag:$0x1] =	stream.indirect.gather [hbm4b:s18+s7], $0x80, s9, s7, $0xb8;
	[tilespmem:$0x8400] =	vst v63  }
0xa1: {  	_ =	swait.ge [sflag:s21], $0x4000  }
0xa2: {  	[sflag:s21] =	ssyncset.done $0x0  }
0xa3: {  	[sflag:s21] =	ssyncadd.s32 $0xFFFFC000  }
0xa4: {  	_ =	swait.ge [sflag:s21], $0x4000  }
0xa5: {  	[sflag:s21] =	ssyncset.done $0x0  }
0xa6: {  	[sflag:s21] =	ssyncadd.s32 $0xFFFFC000  }
0xa7: {  	[hbm4b:s24+s2] =	stream.linear.scatter [tilespmem:s19], [sflag:$0x2], $0x4000, $0x38;
	[tilespmem:$0x8400] =	vst v63  }
0xa8: {  	_ =	swait.ge [sflag:s3], $0x4000  }
0xa9: {  	[sflag:s3] =	ssyncset.done $0x0  }
0xaa: {  	[sflag:s3] =	ssyncadd.s32 $0xFFFFC000  }
0xab: {  	[hbm4b:s25+s2] =	stream.linear.scatter [tilespmem:s20], [sflag:$0x2], $0x4000, $0x38;
	[tilespmem:$0x8400] =	vst v63  }
0xac: {  	_ =	swait.ge [sflag:s3], $0x4000  }
0xad: {  	[sflag:s3] =	ssyncset.done $0x0  }
0xae: {  	[sflag:s3] =	ssyncadd.s32 $0xFFFFC000  }
0xaf: {  	[tilespmem:s19], [sflag:$0x1] =	stream.indirect.gather [hbm4b:s18+s7], $0x80, s11, s7, $0xb8;
	[tilespmem:$0x8400] =	vst v63  }
0xb0: {  	_ = 	snop  }
0xb1: {  	[tilespmem:s20], [sflag:$0x1] =	stream.indirect.gather [hbm4b:s18+s7], $0x80, s13, s7, $0xb8;
	[tilespmem:$0x8400] =	vst v63  }
0xb2: {  	_ =	swait.ge [sflag:s21], $0x4000  }
0xb3: {  	[sflag:s21] =	ssyncset.done $0x0  }
0xb4: {  	[sflag:s21] =	ssyncadd.s32 $0xFFFFC000  }
0xb5: {  	_ =	swait.ge [sflag:s21], $0x4000  }
0xb6: {  	[sflag:s21] =	ssyncset.done $0x0  }
0xb7: {  	[sflag:s21] =	ssyncadd.s32 $0xFFFFC000  }
0xb8: {  	[hbm4b:s26+s2] =	stream.linear.scatter [tilespmem:s19], [sflag:$0x2], $0x4000, $0x38;
	[tilespmem:$0x8400] =	vst v63  }
0xb9: {  	_ =	swait.ge [sflag:s3], $0x4000  }
0xba: {  	[sflag:s3] =	ssyncset.done $0x0  }
0xbb: {  	[sflag:s3] =	ssyncadd.s32 $0xFFFFC000  }
0xbc: {  	[hbm4b:s28+s2] =	stream.linear.scatter [tilespmem:s20], [sflag:$0x2], $0x4000, $0x38;
	[tilespmem:$0x8400] =	vst v63  }
0xbd: {  	_ =	swait.ge [sflag:s3], $0x4000  }
0xbe: {  	[sflag:s3] =	ssyncset.done $0x0  }
0xbf: {  	[sflag:s3] =	ssyncadd.s32 $0xFFFFC000  }
0xc0: {  	[tilespmem:s19], [sflag:$0x1] =	stream.indirect.gather [hbm4b:s18+s7], $0x80, s15, s7, $0xb8;
	[tilespmem:$0x8400] =	vst v63  }
0xc1: {  	_ = 	snop  }
0xc2: {  	[tilespmem:s20], [sflag:$0x1] =	stream.indirect.gather [hbm4b:s18+s7], $0x80, s17, s7, $0xb8;
	[tilespmem:$0x8400] =	vst v63  }
0xc3: {  	_ =	swait.ge [sflag:s21], $0x4000  }
0xc4: {  	[sflag:s21] =	ssyncset.done $0x0  }
0xc5: {  	[sflag:s21] =	ssyncadd.s32 $0xFFFFC000  }
0xc6: {  	_ =	swait.ge [sflag:s21], $0x4000  }
0xc7: {  	[sflag:s21] =	ssyncset.done $0x0  }
0xc8: {  	p0 =	sne.s32 s31, $0x1;
	[sflag:s21] =	ssyncadd.s32 $0xFFFFC000  }
0xc9: {  	[hbm4b:s29+s2] =	stream.linear.scatter [tilespmem:s19], [sflag:$0x2], $0x4000, $0x38;
	[tilespmem:$0x8400] =	vst v63  }
.Ltmp1:
0xca: {  	_ =	swait.ge [sflag:s3], $0x4000;
	(pc) =	sbr.rel @p0 .LBB2_1-.Ltmp1, $4  }
0xcb: {  	[sflag:s3] =	ssyncset.done $0x0  }
0xcc: {  	[sflag:s3] =	ssyncadd.s32 $0xFFFFC000  }
0xcd: {  	[hbm4b:s30+s2] =	stream.linear.scatter [tilespmem:s20], [sflag:$0x2], $0x4000, $0x38;
	[tilespmem:$0x8400] =	vst v63  }
0xce: {  	s31 =	sadd.s32 $0xFFFFFFFF, s31;
	_ =	swait.ge [sflag:s3], $0x4000  }
.LBB2_2:
0xcf: {  	[sflag:s3] =	ssyncset.done $0x0  }
0xd0: {  	[sflag:s3] =	ssyncadd.s32 $0xFFFFC000  }
0xd1: {  	_ =	sfence.sel $0x180000  }
0xd2: {  	[bflag:$0x0] =	sbarrier.arrive $0xFFFF  }
0xd3: {  	_ =	strace $0x90000047  }
0xd4: {  	s0 =	stileid.u32;
	[bflag:$0x2] =	sbarrier.arrive $0xFFFF  }
0xd5: {  	p0 =	sne.s32 s0, $0x0;
	s0 =	rddreg [dreg:$0x3]  }
0xd6: {  	s0 =	sadd.s32 @!p0 $0x100000, s0  }
0xd7: {  	[sflag:s0] =	ssyncadd.tile.s32 @!p0 $0x1;
	_ =	shalt  }
.Lfunc_end2:
_tile_overlayer_lowered:
.L_overlay_start_2:
0xd8: {  	(tag) =	ssettag $0x2  }
0xd9: {  	s0 =	rddreg [dreg:$0x0];
	s2 =	stileid.u32  }
0xda: {  	s1 =	rddreg [dreg:$0x1];
	p0 =	sne.s32 s2, $0x0  }
0xdb: {  	s3 =	rddreg [dreg:$0x2];
	[bflag:$0x3] =	sbarrier.arrive $0xFFFF;
	s2 =	simm.s32 @!p0 $0x1C02  }
0xdc: {  	[timem:s3], [sflag:s2] =	dma.local @!p0 [hbm:s0], s1  }
0xdd: {  	s0 =	simm.s32 @!p0 $0x2  }
0xde: {  	_ =	swait.ge @!p0 [sflag:s0], s1  }
0xdf: {  	s1 =	ssub.s32 @!p0 $0x0, s1;
	[sflag:s0] =	ssyncset.done @!p0 $0x0  }
0xe0: {  	[sflag:s0] =	ssyncadd.s32 @!p0 s1  }
0xe1: {  	[bflag:$0x3] =	sbarrier.arrive $0xFFFF  }
0xe2: {  	_ =	shalt  }

</sc_bundles>
